<compile_context>
chip_gen: v7x
topology: tpu7x:2x2x1
jax: 0.10.2.dev20260603
libtpu: 0.0.44.dev20260713+nightly
codegen_flags: <defaults>
</compile_context>

<pallas_src>
import functools

import jax
import jax.numpy as jnp
from jax import lax
from jax.experimental import pallas as pl
from jax.experimental.pallas import tpu as pltpu
from jax.experimental.pallas import tpu_sc as plsc

NC = 2
NS = 16
NT = NC * NS
CHUNK = 128
PHASES = 2


def _cdiv(a, b):
    return (a + b - 1) // b



def _make_degree(k, kstage, hrows):
    rq = hrows // CHUNK
    zpt = hrows // NS
    mesh = plsc.VectorSubcoreMesh(core_axis_name="c", subcore_axis_name="s")

    @functools.partial(
        pl.kernel,
        out_type=jax.ShapeDtypeStruct((NC, hrows, CHUNK), jnp.float32),
        mesh=mesh,
        scratch_types=[
            pltpu.VMEM((kstage, CHUNK), jnp.int32),
            pltpu.VMEM((hrows, CHUNK), jnp.float32),
            pltpu.VMEM((rq, CHUNK), jnp.int32),
            pltpu.VMEM_SHARED((hrows, CHUNK), jnp.float32),
            pltpu.SemaphoreType.DMA,
        ],
        compiler_params=pltpu.CompilerParams(needs_layout_passes=False),
    )
    def deg_kernel(dst_hbm, zeros_hbm, rowids_hbm, out_hbm,
                   dst_v, hist_v, rowid_v, acc, sem):
        c = lax.axis_index("c")
        s = lax.axis_index("s")
        w = c * NS + s
        pltpu.sync_copy(zeros_hbm.at[pl.ds(0, zpt)], acc.at[pl.ds(s * zpt, zpt)])
        pltpu.sync_copy(zeros_hbm, hist_v)
        pltpu.sync_copy(rowids_hbm, rowid_v)
        pltpu.async_copy(dst_hbm.at[w], dst_v, sem).wait()
        plsc.subcore_barrier()

        hn = hrows * 16
        iota = lax.broadcasted_iota(jnp.int32, (16,), 0)
        lane8 = jnp.bitwise_and(iota, 7)
        mask_lo = iota < 8
        mask_hi = iota >= 8
        ones_v = jnp.full((16,), 1.0, jnp.float32)

        @pl.loop(0, k)
        def _(j):
            for i in range(CHUNK // 16):
                dst16 = dst_v[j, pl.ds(i * 16, 16)]
                flat = lane8 * hn + dst16
                row = lax.shift_right_logical(flat, 7)
                lane = jnp.bitwise_and(flat, 127)
                plsc.addupdate_scatter(hist_v, [row, lane], ones_v,
                                       mask=mask_lo)
                plsc.addupdate_scatter(hist_v, [row, lane], ones_v,
                                       mask=mask_hi)

        for q in range(rq):
            pltpu.sync_copy(hist_v.at[pl.ds(q * CHUNK, CHUNK)],
                            acc.at[rowid_v.at[q]], add=True)

        plsc.subcore_barrier()
        pltpu.sync_copy(acc.at[pl.ds(s * zpt, zpt)],
                        out_hbm.at[c, pl.ds(s * zpt, zpt)])

    return deg_kernel


def _make_aggregate(out_rows, d, kp, kv, acc_rows):
    zpt = acc_rows // NS
    rpt = out_rows // NS
    mesh = plsc.VectorSubcoreMesh(core_axis_name="c", subcore_axis_name="s")

    @functools.partial(
        pl.kernel,
        out_type=jax.ShapeDtypeStruct((NC, out_rows, d), jnp.float32),
        mesh=mesh,
        scratch_types=[
            pltpu.VMEM((PHASES * kp + (kv - kp), CHUNK), jnp.int32),
            pltpu.VMEM((PHASES * kp + (kv - kp), CHUNK), jnp.int32),
            pltpu.VMEM((CHUNK, d), jnp.float32),
            pltpu.VMEM_SHARED((acc_rows, d), jnp.float32),
            pltpu.SemaphoreType.DMA,
        ],
    )
    def agg_kernel(hp_hbm, src_hbm, dst_hbm, zeros_hbm, out_hbm,
                   src_v, dst_v, rows_v, acc, sem):
        c = lax.axis_index("c")
        s = lax.axis_index("s")
        w = c * NS + s
        pltpu.sync_copy(zeros_hbm, acc.at[pl.ds(s * zpt, zpt)])
        pltpu.async_copy(src_hbm.at[w], src_v, sem).wait()
        pltpu.async_copy(dst_hbm.at[w], dst_v, sem).wait()
        plsc.subcore_barrier()

        @pl.loop(0, PHASES * kp)
        def _(j):
            pltpu.async_copy(hp_hbm.at[src_v.at[j]], rows_v, sem).wait()
            pltpu.sync_copy(rows_v, acc.at[dst_v.at[j]], add=True)

        plsc.subcore_barrier()
        pltpu.sync_copy(acc.at[pl.ds(s * rpt, rpt)],
                        out_hbm.at[c, pl.ds(s * rpt, rpt)])

    return agg_kernel



_ROWS = 1000


def _deg_dis(dc_ref):
    deg = dc_ref[:, :1]
    return deg, lax.rsqrt(deg)


def _tc_deg_finalize(h0, h1):
    hrows, _ = h0.shape
    grows = hrows // 8
    nodes = grows * CHUNK
    blk = 1024

    def body(h0_ref, h1_ref, o_ref):
        i = pl.program_id(0)
        flat = h0_ref[...] + h1_ref[...]
        byn = flat[0:grows, :]
        for g in range(1, 8):
            byn = byn + flat[g * grows:(g + 1) * grows, :]
        rows = lax.broadcasted_iota(jnp.int32, (blk, grows), 0)
        cols = lax.broadcasted_iota(jnp.int32, (blk, grows), 1)
        P = (cols == (blk // CHUNK) * i + rows // CHUNK).astype(jnp.float32)
        Y = jnp.dot(P, byn, preferred_element_type=jnp.float32,
                    precision=lax.Precision.HIGHEST)
        rj = lax.broadcasted_iota(jnp.int32, (blk, CHUNK), 0)
        lj = lax.broadcasted_iota(jnp.int32, (blk, CHUNK), 1)
        M = (lj == jnp.bitwise_and(rj, CHUNK - 1)).astype(jnp.float32)
        deg = 1.0 + jnp.sum(Y * M, axis=1, keepdims=True)
        o_ref[...] = deg + jnp.zeros((1, 16), jnp.float32)

    return pl.pallas_call(
        body,
        grid=(nodes // blk,),
        in_specs=[
            pl.BlockSpec((hrows, CHUNK), lambda i: (0, 0)),
            pl.BlockSpec((hrows, CHUNK), lambda i: (0, 0)),
        ],
        out_specs=pl.BlockSpec((blk, 16), lambda i: (i, 0)),
        out_shape=jax.ShapeDtypeStruct((nodes, 16), jnp.float32),
    )(h0, h1)


def _tc_prescale(x, w1, dc):
    n, din = x.shape
    d = w1.shape[1]

    def body(x_ref, w_ref, dc_ref, o_ref):
        _, dis = _deg_dis(dc_ref)
        h = jnp.dot(x_ref[...], w_ref[...], preferred_element_type=jnp.float32)
        o_ref[...] = h * dis

    return pl.pallas_call(
        body,
        grid=(n // _ROWS,),
        in_specs=[
            pl.BlockSpec((_ROWS, din), lambda i: (i, 0)),
            pl.BlockSpec((din, d), lambda i: (0, 0)),
            pl.BlockSpec((_ROWS, 16), lambda i: (i, 0)),
        ],
        out_specs=pl.BlockSpec((_ROWS, d), lambda i: (i, 0)),
        out_shape=jax.ShapeDtypeStruct((n, d), jnp.float32),
    )(x, w1, dc)


def _tc_mid(a0, a1, hp1, dc, w2, b1):
    n, d = hp1.shape
    dout = w2.shape[1]

    def body(a0_ref, a1_ref, hp_ref, dc_ref, w_ref, b_ref, o_ref):
        _, dis = _deg_dis(dc_ref)
        o1 = dis * (a0_ref[...] + a1_ref[...] + hp_ref[...]) + b_ref[...]
        o1 = jnp.maximum(o1, 0.0)
        h2 = jnp.dot(o1, w_ref[...], preferred_element_type=jnp.float32)
        o_ref[...] = h2 * dis

    full = pl.BlockSpec((_ROWS, d), lambda i: (i, 0))
    return pl.pallas_call(
        body,
        grid=(n // _ROWS,),
        in_specs=[
            full, full, full,
            pl.BlockSpec((_ROWS, 16), lambda i: (i, 0)),
            pl.BlockSpec((d, dout), lambda i: (0, 0)),
            pl.BlockSpec((1, d), lambda i: (0, 0)),
        ],
        out_specs=pl.BlockSpec((_ROWS, dout), lambda i: (i, 0)),
        out_shape=jax.ShapeDtypeStruct((n, dout), jnp.float32),
    )(a0, a1, hp1, dc, w2, b1)


def _tc_final(a0, a1, hp2, dc, b2):
    n, d = hp2.shape

    def body(a0_ref, a1_ref, hp_ref, dc_ref, b_ref, o_ref):
        _, dis = _deg_dis(dc_ref)
        o2 = dis * (a0_ref[...] + a1_ref[...] + hp_ref[...]) + b_ref[...]
        o2 = jnp.maximum(o2, 0.0)
        m = jnp.max(o2, axis=1, keepdims=True)
        shifted = o2 - m
        lse = jnp.log(jnp.sum(jnp.exp(shifted), axis=1, keepdims=True))
        o_ref[...] = shifted - lse

    full = pl.BlockSpec((_ROWS, d), lambda i: (i, 0))
    return pl.pallas_call(
        body,
        grid=(n // _ROWS,),
        in_specs=[
            full, full, full,
            pl.BlockSpec((_ROWS, 16), lambda i: (i, 0)),
            pl.BlockSpec((1, d), lambda i: (0, 0)),
        ],
        out_specs=pl.BlockSpec((_ROWS, d), lambda i: (i, 0)),
        out_shape=jax.ShapeDtypeStruct((n, d), jnp.float32),
    )(a0, a1, hp2, dc, b2)



def kernel(x, adj_t, W1, b1, W2, b2):
    n, din = x.shape
    e = adj_t.shape[1]
    d = W1.shape[1]

    kp = 2 * _cdiv(e, NT * CHUNK * PHASES * 2)
    k = kp * PHASES
    kv = _cdiv(kp + 1, 8) * 8
    krows = k + (kv - kp)
    e_pad = NT * k * CHUNK
    out_rows = _cdiv(n, 128) * 128
    acc_rows = out_rows + 128

    src = adj_t[0]
    dst = adj_t[1]
    pad = e_pad - e
    extra = krows - k
    dump = n + (jnp.arange(pad, dtype=dst.dtype) % 128)
    dump2 = n + (jnp.arange(NT * extra * CHUNK, dtype=dst.dtype)
                 % 128).reshape(NT, extra, CHUNK)
    src3 = jnp.concatenate(
        [jnp.concatenate([src, jnp.zeros((pad,), src.dtype)]).reshape(NT, k, CHUNK),
         jnp.zeros((NT, extra, CHUNK), src.dtype)], axis=1)
    dst3 = jnp.concatenate(
        [jnp.concatenate([dst, dump]).reshape(NT, k, CHUNK), dump2], axis=1)

    hrows = _cdiv((n + 1) * 8, CHUNK * CHUNK) * CHUNK

    zeros_hist = jnp.zeros((hrows, CHUNK), jnp.float32)
    rowids = jnp.arange(hrows, dtype=jnp.int32).reshape(hrows // CHUNK, CHUNK)
    zeros_d = jnp.zeros((acc_rows // NS, d), jnp.float32)

    degp = _make_degree(k, krows, hrows)(dst3, zeros_hist, rowids)
    dc = _tc_deg_finalize(degp[0], degp[1])[:n]

    agg = _make_aggregate(out_rows, d, kp, kv, acc_rows)
    hp1 = _tc_prescale(x, W1, dc)
    agg1 = agg(hp1, src3, dst3, zeros_d)
    hp2 = _tc_mid(agg1[0, :n], agg1[1, :n], hp1, dc, W2, b1.reshape(1, d))
    agg2 = agg(hp2, src3, dst3, zeros_d)
    return _tc_final(agg2[0, :n], agg2[1, :n], hp2, dc, b2.reshape(1, d))

# --- scband reference (transcript-rebuilt; emitter-appended) ---
"""Pipeline reference for scband-gnn-38019050504198 (READ-ONLY COPY).

The authoritative reference and input builder live on the scoring server;
editing this copy changes nothing except your own understanding.
"""

import jax, jax.numpy as jnp
import numpy as np

N = 10000
E = 320000
D_IN = 128
D_HID = 128
D_OUT = 128


def _gcn_layer(x, W, b, src2, dst2, norm, n):
    h = x @ W
    msg = h[src2] * norm[:, None]
    out = jax.ops.segment_sum(msg, dst2, num_segments=n)
    return out + b


def setup_inputs(seed: int = 0) -> dict:
    key = jax.random.key(seed)
    k1, k2, k3, k4 = jax.random.split(key, 4)
    x = jax.random.normal(k1, (N, D_IN), dtype=jnp.float32)
    adj_t = jax.random.randint(k2, (2, E), 0, N, dtype=jnp.int32)
    W1 = jax.random.normal(k3, (D_IN, D_HID), dtype=jnp.float32) * 0.05
    b1 = jnp.zeros((D_HID,), dtype=jnp.float32)
    W2 = jax.random.normal(k4, (D_HID, D_OUT), dtype=jnp.float32) * 0.05
    b2 = jnp.zeros((D_OUT,), dtype=jnp.float32)
    return {"x": x, "adj_t": adj_t, "W1": W1, "b1": b1, "W2": W2, "b2": b2}


def reference(x, adj_t, W1, b1, W2, b2):
    src, dst = adj_t[0], adj_t[1]
    loop = jnp.arange(N, dtype=src.dtype)
    src2 = jnp.concatenate([src, loop])
    dst2 = jnp.concatenate([dst, loop])
    # GCN normalization with self-loops: norm = deg^{-1/2}[src] * deg^{-1/2}[dst]
    deg = jax.ops.segment_sum(jnp.ones_like(dst2, dtype=x.dtype), dst2, num_segments=N)
    dis = jax.lax.rsqrt(jnp.maximum(deg, 1e-12))
    norm = dis[src2] * dis[dst2]
    # layer 1: GCNConv -> relu -> dropout(p=0.0, eval) = identity
    h = _gcn_layer(x, W1, b1, src2, dst2, norm, N)
    h = jax.nn.relu(h)
    # layer 2: GCNConv -> relu
    h = _gcn_layer(h, W2, b2, src2, dst2, norm, N)
    h = jax.nn.relu(h)
    out = jax.nn.log_softmax(h, axis=1)
    return out

if __name__ == "__main__":
    import jax
    _d = setup_inputs()
    print(jax.jit(kernel)(*tuple(_d.values())))

</pallas_src>

<mosaic_0001>
#map = affine_map<(d0, d1) -> (0, 0, 0)>
#map1 = affine_map<(d0, d1) -> (0, 0)>
module attributes {stable_mosaic.version = 14 : i64} {
  func.func @deg_kernel(%arg0: i32, %arg1: i32, %arg2: memref<32x88x128xi32, #tpu.memory_space<hbm>>, %arg3: memref<640x128xf32, #tpu.memory_space<hbm>>, %arg4: memref<5x128xi32, #tpu.memory_space<hbm>>, %arg5: memref<2x640x128xf32, #tpu.memory_space<hbm>>, %arg6: memref<88x128xi32, #tpu.memory_space<vmem>>, %arg7: memref<640x128xf32, #tpu.memory_space<vmem>>, %arg8: memref<5x128xi32, #tpu.memory_space<vmem>>, %arg9: memref<640x128xf32, #tpu.memory_space<vmem_shared>>, %arg10: memref<!tpu.dma_semaphore, #tpu.memory_space<semaphore_mem>>) attributes {dimension_semantics = [#tpu.dimension_semantics<core_parallel>, #tpu.dimension_semantics<subcore_parallel>], iteration_bounds = array<i64: 2, 16>, scalar_prefetch = 0 : i64, scratch_operands = 5 : i64, tpu.core_type = #tpu.core_type<sc_vector_subcore>, window_params = [{transform_indices = #map}, {transform_indices = #map1}, {transform_indices = #map1}, {transform_indices = #map}]} {
    %mul3A = arith.constant 16 : i32
    %mul3A_0 = arith.muli %arg0, %mul3A : i32
    %add3A = arith.addi %mul3A_0, %arg1 : i32
    %mul3A_1 = arith.constant 40 : i32
    %mul3A_2 = arith.muli %arg1, %mul3A_1 : i32
    "tpu.region"() ({
      %run_scoped3A_37 = tpu.sem_alloc : memref<!tpu.dma_semaphore, #tpu.memory_space<semaphore_mem>>
      %dma_start3A_38 = arith.constant 0 : i32
      %dma_start3A_39 = tpu.memref_slice %arg9[%mul3A_2, %dma_start3A_38] : memref<640x128xf32, #tpu.memory_space<vmem_shared>> -> memref<40x128xf32, #tpu.memory_space<vmem_shared>>
      %dma_start3A_40 = arith.constant 0 : i32
      %dma_start3A_41 = arith.constant 0 : i32
      %dma_start3A_42 = tpu.memref_slice %arg3[%dma_start3A_40, %dma_start3A_41] : memref<640x128xf32, #tpu.memory_space<hbm>> -> memref<40x128xf32, #tpu.memory_space<hbm>>
      tpu.enqueue_dma source(%dma_start3A_42 : memref<40x128xf32, #tpu.memory_space<hbm>>) target(%dma_start3A_39 : memref<40x128xf32, #tpu.memory_space<vmem_shared>>) target_semaphore(%run_scoped3A_37 : memref<!tpu.dma_semaphore, #tpu.memory_space<semaphore_mem>>)
      %dma_wait3A_43 = arith.constant 0 : i32
      %dma_wait3A_44 = tpu.memref_slice %arg9[%mul3A_2, %dma_wait3A_43] : memref<640x128xf32, #tpu.memory_space<vmem_shared>> -> memref<40x128xf32, #tpu.memory_space<vmem_shared>>
      %dma_wait3A_45 = arith.constant 0 : i32
      %dma_wait3A_46 = arith.constant 0 : i32
      %dma_wait3A_47 = tpu.memref_slice %arg3[%dma_wait3A_45, %dma_wait3A_46] : memref<640x128xf32, #tpu.memory_space<hbm>> -> memref<40x128xf32, #tpu.memory_space<hbm>>
      tpu.wait_dma2 semaphore(%run_scoped3A_37 : memref<!tpu.dma_semaphore, #tpu.memory_space<semaphore_mem>>) src(%dma_wait3A_47 : memref<40x128xf32, #tpu.memory_space<hbm>>) dst(%dma_wait3A_44 : memref<40x128xf32, #tpu.memory_space<vmem_shared>>)
      tpu.yield
    }) : () -> ()
    "tpu.region"() ({
      %run_scoped3A_37 = tpu.sem_alloc : memref<!tpu.dma_semaphore, #tpu.memory_space<semaphore_mem>>
      tpu.enqueue_dma source(%arg3 : memref<640x128xf32, #tpu.memory_space<hbm>>) target(%arg7 : memref<640x128xf32, #tpu.memory_space<vmem>>) target_semaphore(%run_scoped3A_37 : memref<!tpu.dma_semaphore, #tpu.memory_space<semaphore_mem>>)
      tpu.wait_dma2 semaphore(%run_scoped3A_37 : memref<!tpu.dma_semaphore, #tpu.memory_space<semaphore_mem>>) src(%arg3 : memref<640x128xf32, #tpu.memory_space<hbm>>) dst(%arg7 : memref<640x128xf32, #tpu.memory_space<vmem>>)
      tpu.yield
    }) : () -> ()
    "tpu.region"() ({
      %run_scoped3A_37 = tpu.sem_alloc : memref<!tpu.dma_semaphore, #tpu.memory_space<semaphore_mem>>
      tpu.enqueue_dma source(%arg4 : memref<5x128xi32, #tpu.memory_space<hbm>>) target(%arg8 : memref<5x128xi32, #tpu.memory_space<vmem>>) target_semaphore(%run_scoped3A_37 : memref<!tpu.dma_semaphore, #tpu.memory_space<semaphore_mem>>)
      tpu.wait_dma2 semaphore(%run_scoped3A_37 : memref<!tpu.dma_semaphore, #tpu.memory_space<semaphore_mem>>) src(%arg4 : memref<5x128xi32, #tpu.memory_space<hbm>>) dst(%arg8 : memref<5x128xi32, #tpu.memory_space<vmem>>)
      tpu.yield
    }) : () -> ()
    %dma_start3A = arith.constant 0 : i32
    %dma_start3A_3 = arith.constant 0 : i32
    %dma_start3A_4 = tpu.memref_slice %arg2[%add3A, %dma_start3A, %dma_start3A_3] : memref<32x88x128xi32, #tpu.memory_space<hbm>> -> memref<1x88x128xi32, #tpu.memory_space<hbm>>
    %dma_start3A_5 = tpu.memref_squeeze %dma_start3A_4 : memref<1x88x128xi32, #tpu.memory_space<hbm>> -> memref<88x128xi32, #tpu.memory_space<hbm>>
    %dma_start3A_6 = arith.constant 0 : i32
    %dma_start3A_7 = arith.constant 0 : i32
    %dma_start3A_8 = tpu.memref_slice %arg2[%add3A, %dma_start3A_6, %dma_start3A_7] : memref<32x88x128xi32, #tpu.memory_space<hbm>> -> memref<1x88x128xi32, #tpu.memory_space<hbm>>
    %dma_start3A_9 = tpu.memref_squeeze %dma_start3A_8 : memref<1x88x128xi32, #tpu.memory_space<hbm>> -> memref<88x128xi32, #tpu.memory_space<hbm>>
    tpu.enqueue_dma source(%dma_start3A_9 : memref<88x128xi32, #tpu.memory_space<hbm>>) target(%arg6 : memref<88x128xi32, #tpu.memory_space<vmem>>) target_semaphore(%arg10 : memref<!tpu.dma_semaphore, #tpu.memory_space<semaphore_mem>>)
    %dma_wait3A = arith.constant 0 : i32
    %dma_wait3A_10 = arith.constant 0 : i32
    %dma_wait3A_11 = tpu.memref_slice %arg2[%add3A, %dma_wait3A, %dma_wait3A_10] : memref<32x88x128xi32, #tpu.memory_space<hbm>> -> memref<1x88x128xi32, #tpu.memory_space<hbm>>
    %dma_wait3A_12 = tpu.memref_squeeze %dma_wait3A_11 : memref<1x88x128xi32, #tpu.memory_space<hbm>> -> memref<88x128xi32, #tpu.memory_space<hbm>>
    %dma_wait3A_13 = arith.constant 0 : i32
    %dma_wait3A_14 = arith.constant 0 : i32
    %dma_wait3A_15 = tpu.memref_slice %arg2[%add3A, %dma_wait3A_13, %dma_wait3A_14] : memref<32x88x128xi32, #tpu.memory_space<hbm>> -> memref<1x88x128xi32, #tpu.memory_space<hbm>>
    %dma_wait3A_16 = tpu.memref_squeeze %dma_wait3A_15 : memref<1x88x128xi32, #tpu.memory_space<hbm>> -> memref<88x128xi32, #tpu.memory_space<hbm>>
    tpu.wait_dma2 semaphore(%arg10 : memref<!tpu.dma_semaphore, #tpu.memory_space<semaphore_mem>>) src(%dma_wait3A_16 : memref<88x128xi32, #tpu.memory_space<hbm>>) dst(%arg6 : memref<88x128xi32, #tpu.memory_space<vmem>>)
    %barrier3A = arith.constant 0 : index
    tpu.barrier barrier_id(%barrier3A)
    %iota3A = tpu.iota {dimensions = array<i32: 0>} : vector<16xi32>
    %and3A = arith.constant 7 : i32
    %and3A_17 = vector.broadcast %and3A : i32 to vector<16xi32>
    %and3A_18 = arith.andi %iota3A, %and3A_17 : vector<16xi32>
    %lt3A = arith.constant 8 : i32
    %lt3A_19 = vector.broadcast %lt3A : i32 to vector<16xi32>
    %lt3A_20 = arith.cmpi slt, %iota3A, %lt3A_19 : vector<16xi32>
    %ge3A = arith.constant 8 : i32
    %ge3A_21 = vector.broadcast %ge3A : i32 to vector<16xi32>
    %ge3A_22 = arith.cmpi sge, %iota3A, %ge3A_21 : vector<16xi32>
    %broadcast_in_dim3A = arith.constant 1.000000e+00 : f32
    %broadcast_in_dim3A_23 = vector.broadcast %broadcast_in_dim3A : f32 to vector<16xf32>
    %scan3A = arith.constant 0 : i32
    %scan3A_24 = arith.constant 80 : i32
    %scan3A_25 = arith.addi %scan3A, %scan3A_24 : i32
    %scan3A_26 = arith.constant 1 : i32
    scf.for %scan3A_37 = %scan3A to %scan3A_25 step %scan3A_26  : i32 {
      %mul3A_38 = arith.constant 1 : i32
      %mul3A_39 = arith.muli %scan3A_37, %mul3A_38 : i32
      %add3A_40 = arith.constant 0 : i32
      %add3A_41 = arith.addi %add3A_40, %mul3A_39 : i32
      %get3A = arith.index_cast %add3A_41 : i32 to index
      %get3A_42 = arith.constant 0 : index
      %get3A_43 = tpu.vector_load %arg6[%get3A, %get3A_42] {strides = array<i32>} : memref<88x128xi32, #tpu.memory_space<vmem>>, vector<16xi32>,
      %mul3A_44 = arith.constant 10240 : i32
      %mul3A_45 = vector.broadcast %mul3A_44 : i32 to vector<16xi32>
      %mul3A_46 = arith.muli %and3A_18, %mul3A_45 : vector<16xi32>
      %add3A_47 = arith.addi %mul3A_46, %get3A_43 : vector<16xi32>
      %shift_right_logical3A = arith.constant 7 : i32
      %shift_right_logical3A_48 = vector.broadcast %shift_right_logical3A : i32 to vector<16xi32>
      %shift_right_logical3A_49 = arith.shrui %add3A_47, %shift_right_logical3A_48 : vector<16xi32>
      %and3A_50 = arith.constant 127 : i32
      %and3A_51 = vector.broadcast %and3A_50 : i32 to vector<16xi32>
      %and3A_52 = arith.andi %add3A_47, %and3A_51 : vector<16xi32>
      tpu.vector_store_idx %arg7[%shift_right_logical3A_49, %and3A_52], %broadcast_in_dim3A_23 masked %lt3A_20 {add = true} : memref<640x128xf32, #tpu.memory_space<vmem>>[vector<16xi32>, vector<16xi32>], vector<16xf32>, vector<16xi1>
      tpu.vector_store_idx %arg7[%shift_right_logical3A_49, %and3A_52], %broadcast_in_dim3A_23 masked %ge3A_22 {add = true} : memref<640x128xf32, #tpu.memory_space<vmem>>[vector<16xi32>, vector<16xi32>], vector<16xf32>, vector<16xi1>
      %get3A_53 = arith.index_cast %add3A_41 : i32 to index
      %get3A_54 = arith.constant 16 : index
      %get3A_55 = tpu.vector_load %arg6[%get3A_53, %get3A_54] {strides = array<i32>} : memref<88x128xi32, #tpu.memory_space<vmem>>, vector<16xi32>,
      %mul3A_56 = arith.constant 10240 : i32
      %mul3A_57 = vector.broadcast %mul3A_56 : i32 to vector<16xi32>
      %mul3A_58 = arith.muli %and3A_18, %mul3A_57 : vector<16xi32>
      %add3A_59 = arith.addi %mul3A_58, %get3A_55 : vector<16xi32>
      %shift_right_logical3A_60 = arith.constant 7 : i32
      %shift_right_logical3A_61 = vector.broadcast %shift_right_logical3A_60 : i32 to vector<16xi32>
      %shift_right_logical3A_62 = arith.shrui %add3A_59, %shift_right_logical3A_61 : vector<16xi32>
      %and3A_63 = arith.constant 127 : i32
      %and3A_64 = vector.broadcast %and3A_63 : i32 to vector<16xi32>
      %and3A_65 = arith.andi %add3A_59, %and3A_64 : vector<16xi32>
      tpu.vector_store_idx %arg7[%shift_right_logical3A_62, %and3A_65], %broadcast_in_dim3A_23 masked %lt3A_20 {add = true} : memref<640x128xf32, #tpu.memory_space<vmem>>[vector<16xi32>, vector<16xi32>], vector<16xf32>, vector<16xi1>
      tpu.vector_store_idx %arg7[%shift_right_logical3A_62, %and3A_65], %broadcast_in_dim3A_23 masked %ge3A_22 {add = true} : memref<640x128xf32, #tpu.memory_space<vmem>>[vector<16xi32>, vector<16xi32>], vector<16xf32>, vector<16xi1>
      %get3A_66 = arith.index_cast %add3A_41 : i32 to index
      %get3A_67 = arith.constant 32 : index
      %get3A_68 = tpu.vector_load %arg6[%get3A_66, %get3A_67] {strides = array<i32>} : memref<88x128xi32, #tpu.memory_space<vmem>>, vector<16xi32>,
      %mul3A_69 = arith.constant 10240 : i32
      %mul3A_70 = vector.broadcast %mul3A_69 : i32 to vector<16xi32>
      %mul3A_71 = arith.muli %and3A_18, %mul3A_70 : vector<16xi32>
      %add3A_72 = arith.addi %mul3A_71, %get3A_68 : vector<16xi32>
      %shift_right_logical3A_73 = arith.constant 7 : i32
      %shift_right_logical3A_74 = vector.broadcast %shift_right_logical3A_73 : i32 to vector<16xi32>
      %shift_right_logical3A_75 = arith.shrui %add3A_72, %shift_right_logical3A_74 : vector<16xi32>
      %and3A_76 = arith.constant 127 : i32
      %and3A_77 = vector.broadcast %and3A_76 : i32 to vector<16xi32>
      %and3A_78 = arith.andi %add3A_72, %and3A_77 : vector<16xi32>
      tpu.vector_store_idx %arg7[%shift_right_logical3A_75, %and3A_78], %broadcast_in_dim3A_23 masked %lt3A_20 {add = true} : memref<640x128xf32, #tpu.memory_space<vmem>>[vector<16xi32>, vector<16xi32>], vector<16xf32>, vector<16xi1>
      tpu.vector_store_idx %arg7[%shift_right_logical3A_75, %and3A_78], %broadcast_in_dim3A_23 masked %ge3A_22 {add = true} : memref<640x128xf32, #tpu.memory_space<vmem>>[vector<16xi32>, vector<16xi32>], vector<16xf32>, vector<16xi1>
      %get3A_79 = arith.index_cast %add3A_41 : i32 to index
      %get3A_80 = arith.constant 48 : index
      %get3A_81 = tpu.vector_load %arg6[%get3A_79, %get3A_80] {strides = array<i32>} : memref<88x128xi32, #tpu.memory_space<vmem>>, vector<16xi32>,
      %mul3A_82 = arith.constant 10240 : i32
      %mul3A_83 = vector.broadcast %mul3A_82 : i32 to vector<16xi32>
      %mul3A_84 = arith.muli %and3A_18, %mul3A_83 : vector<16xi32>
      %add3A_85 = arith.addi %mul3A_84, %get3A_81 : vector<16xi32>
      %shift_right_logical3A_86 = arith.constant 7 : i32
      %shift_right_logical3A_87 = vector.broadcast %shift_right_logical3A_86 : i32 to vector<16xi32>
      %shift_right_logical3A_88 = arith.shrui %add3A_85, %shift_right_logical3A_87 : vector<16xi32>
      %and3A_89 = arith.constant 127 : i32
      %and3A_90 = vector.broadcast %and3A_89 : i32 to vector<16xi32>
      %and3A_91 = arith.andi %add3A_85, %and3A_90 : vector<16xi32>
      tpu.vector_store_idx %arg7[%shift_right_logical3A_88, %and3A_91], %broadcast_in_dim3A_23 masked %lt3A_20 {add = true} : memref<640x128xf32, #tpu.memory_space<vmem>>[vector<16xi32>, vector<16xi32>], vector<16xf32>, vector<16xi1>
      tpu.vector_store_idx %arg7[%shift_right_logical3A_88, %and3A_91], %broadcast_in_dim3A_23 masked %ge3A_22 {add = true} : memref<640x128xf32, #tpu.memory_space<vmem>>[vector<16xi32>, vector<16xi32>], vector<16xf32>, vector<16xi1>
      %get3A_92 = arith.index_cast %add3A_41 : i32 to index
      %get3A_93 = arith.constant 64 : index
      %get3A_94 = tpu.vector_load %arg6[%get3A_92, %get3A_93] {strides = array<i32>} : memref<88x128xi32, #tpu.memory_space<vmem>>, vector<16xi32>,
      %mul3A_95 = arith.constant 10240 : i32
      %mul3A_96 = vector.broadcast %mul3A_95 : i32 to vector<16xi32>
      %mul3A_97 = arith.muli %and3A_18, %mul3A_96 : vector<16xi32>
      %add3A_98 = arith.addi %mul3A_97, %get3A_94 : vector<16xi32>
      %shift_right_logical3A_99 = arith.constant 7 : i32
      %shift_right_logical3A_100 = vector.broadcast %shift_right_logical3A_99 : i32 to vector<16xi32>
      %shift_right_logical3A_101 = arith.shrui %add3A_98, %shift_right_logical3A_100 : vector<16xi32>
      %and3A_102 = arith.constant 127 : i32
      %and3A_103 = vector.broadcast %and3A_102 : i32 to vector<16xi32>
      %and3A_104 = arith.andi %add3A_98, %and3A_103 : vector<16xi32>
      tpu.vector_store_idx %arg7[%shift_right_logical3A_101, %and3A_104], %broadcast_in_dim3A_23 masked %lt3A_20 {add = true} : memref<640x128xf32, #tpu.memory_space<vmem>>[vector<16xi32>, vector<16xi32>], vector<16xf32>, vector<16xi1>
      tpu.vector_store_idx %arg7[%shift_right_logical3A_101, %and3A_104], %broadcast_in_dim3A_23 masked %ge3A_22 {add = true} : memref<640x128xf32, #tpu.memory_space<vmem>>[vector<16xi32>, vector<16xi32>], vector<16xf32>, vector<16xi1>
      %get3A_105 = arith.index_cast %add3A_41 : i32 to index
      %get3A_106 = arith.constant 80 : index
      %get3A_107 = tpu.vector_load %arg6[%get3A_105, %get3A_106] {strides = array<i32>} : memref<88x128xi32, #tpu.memory_space<vmem>>, vector<16xi32>,
      %mul3A_108 = arith.constant 10240 : i32
      %mul3A_109 = vector.broadcast %mul3A_108 : i32 to vector<16xi32>
      %mul3A_110 = arith.muli %and3A_18, %mul3A_109 : vector<16xi32>
      %add3A_111 = arith.addi %mul3A_110, %get3A_107 : vector<16xi32>
      %shift_right_logical3A_112 = arith.constant 7 : i32
      %shift_right_logical3A_113 = vector.broadcast %shift_right_logical3A_112 : i32 to vector<16xi32>
      %shift_right_logical3A_114 = arith.shrui %add3A_111, %shift_right_logical3A_113 : vector<16xi32>
      %and3A_115 = arith.constant 127 : i32
      %and3A_116 = vector.broadcast %and3A_115 : i32 to vector<16xi32>
      %and3A_117 = arith.andi %add3A_111, %and3A_116 : vector<16xi32>
      tpu.vector_store_idx %arg7[%shift_right_logical3A_114, %and3A_117], %broadcast_in_dim3A_23 masked %lt3A_20 {add = true} : memref<640x128xf32, #tpu.memory_space<vmem>>[vector<16xi32>, vector<16xi32>], vector<16xf32>, vector<16xi1>
      tpu.vector_store_idx %arg7[%shift_right_logical3A_114, %and3A_117], %broadcast_in_dim3A_23 masked %ge3A_22 {add = true} : memref<640x128xf32, #tpu.memory_space<vmem>>[vector<16xi32>, vector<16xi32>], vector<16xf32>, vector<16xi1>
      %get3A_118 = arith.index_cast %add3A_41 : i32 to index
      %get3A_119 = arith.constant 96 : index
      %get3A_120 = tpu.vector_load %arg6[%get3A_118, %get3A_119] {strides = array<i32>} : memref<88x128xi32, #tpu.memory_space<vmem>>, vector<16xi32>,
      %mul3A_121 = arith.constant 10240 : i32
      %mul3A_122 = vector.broadcast %mul3A_121 : i32 to vector<16xi32>
      %mul3A_123 = arith.muli %and3A_18, %mul3A_122 : vector<16xi32>
      %add3A_124 = arith.addi %mul3A_123, %get3A_120 : vector<16xi32>
      %shift_right_logical3A_125 = arith.constant 7 : i32
      %shift_right_logical3A_126 = vector.broadcast %shift_right_logical3A_125 : i32 to vector<16xi32>
      %shift_right_logical3A_127 = arith.shrui %add3A_124, %shift_right_logical3A_126 : vector<16xi32>
      %and3A_128 = arith.constant 127 : i32
      %and3A_129 = vector.broadcast %and3A_128 : i32 to vector<16xi32>
      %and3A_130 = arith.andi %add3A_124, %and3A_129 : vector<16xi32>
      tpu.vector_store_idx %arg7[%shift_right_logical3A_127, %and3A_130], %broadcast_in_dim3A_23 masked %lt3A_20 {add = true} : memref<640x128xf32, #tpu.memory_space<vmem>>[vector<16xi32>, vector<16xi32>], vector<16xf32>, vector<16xi1>
      tpu.vector_store_idx %arg7[%shift_right_logical3A_127, %and3A_130], %broadcast_in_dim3A_23 masked %ge3A_22 {add = true} : memref<640x128xf32, #tpu.memory_space<vmem>>[vector<16xi32>, vector<16xi32>], vector<16xf32>, vector<16xi1>
      %get3A_131 = arith.index_cast %add3A_41 : i32 to index
      %get3A_132 = arith.constant 112 : index
      %get3A_133 = tpu.vector_load %arg6[%get3A_131, %get3A_132] {strides = array<i32>} : memref<88x128xi32, #tpu.memory_space<vmem>>, vector<16xi32>,
      %mul3A_134 = arith.constant 10240 : i32
      %mul3A_135 = vector.broadcast %mul3A_134 : i32 to vector<16xi32>
      %mul3A_136 = arith.muli %and3A_18, %mul3A_135 : vector<16xi32>
      %add3A_137 = arith.addi %mul3A_136, %get3A_133 : vector<16xi32>
      %shift_right_logical3A_138 = arith.constant 7 : i32
      %shift_right_logical3A_139 = vector.broadcast %shift_right_logical3A_138 : i32 to vector<16xi32>
      %shift_right_logical3A_140 = arith.shrui %add3A_137, %shift_right_logical3A_139 : vector<16xi32>
      %and3A_141 = arith.constant 127 : i32
      %and3A_142 = vector.broadcast %and3A_141 : i32 to vector<16xi32>
      %and3A_143 = arith.andi %add3A_137, %and3A_142 : vector<16xi32>
      tpu.vector_store_idx %arg7[%shift_right_logical3A_140, %and3A_143], %broadcast_in_dim3A_23 masked %lt3A_20 {add = true} : memref<640x128xf32, #tpu.memory_space<vmem>>[vector<16xi32>, vector<16xi32>], vector<16xf32>, vector<16xi1>
      tpu.vector_store_idx %arg7[%shift_right_logical3A_140, %and3A_143], %broadcast_in_dim3A_23 masked %ge3A_22 {add = true} : memref<640x128xf32, #tpu.memory_space<vmem>>[vector<16xi32>, vector<16xi32>], vector<16xf32>, vector<16xi1>
    }
    %scan3A_27 = arith.constant 80 : i32
    %run_scoped3A = arith.constant 0 : i32
    "tpu.region"() ({
      %run_scoped3A_37 = tpu.sem_alloc : memref<!tpu.dma_semaphore, #tpu.memory_space<semaphore_mem>>
      %dma_start3A_38 = arith.constant 0 : i32
      %dma_start3A_39 = arith.constant 0 : i32
      %dma_start3A_40 = tpu.memref_slice %arg7[%dma_start3A_38, %dma_start3A_39] : memref<640x128xf32, #tpu.memory_space<vmem>> -> memref<128x128xf32, #tpu.memory_space<vmem>>
      %dma_start3A_41 = arith.constant 0 : i32
      %dma_start3A_42 = tpu.memref_slice %arg8[%run_scoped3A, %dma_start3A_41] : memref<5x128xi32, #tpu.memory_space<vmem>> -> memref<1x128xi32, #tpu.memory_space<vmem>>
      %dma_start3A_43 = tpu.memref_squeeze %dma_start3A_42 : memref<1x128xi32, #tpu.memory_space<vmem>> -> memref<128xi32, #tpu.memory_space<vmem>>
      %dma_start3A_44 = arith.constant 0 : i32
      %dma_start3A_45 = arith.constant 0 : i32
      %dma_start3A_46 = tpu.memref_slice %arg9[%dma_start3A_44, %dma_start3A_45] : memref<640x128xf32, #tpu.memory_space<vmem_shared>> -> memref<640x128xf32, #tpu.memory_space<vmem_shared>>
      tpu.enqueue_indirect_dma source(%dma_start3A_40 : memref<128x128xf32, #tpu.memory_space<vmem>>) target(%dma_start3A_46 : memref<640x128xf32, #tpu.memory_space<vmem_shared>>) offsets(%dma_start3A_43 : memref<128xi32, #tpu.memory_space<vmem>>) semaphore(%run_scoped3A_37 : memref<!tpu.dma_semaphore, #tpu.memory_space<semaphore_mem>>) {add = true}
      %dma_wait3A_47 = arith.constant 0 : i32
      %dma_wait3A_48 = arith.constant 0 : i32
      %dma_wait3A_49 = tpu.memref_slice %arg7[%dma_wait3A_47, %dma_wait3A_48] : memref<640x128xf32, #tpu.memory_space<vmem>> -> memref<128x128xf32, #tpu.memory_space<vmem>>
      %dma_wait3A_50 = arith.constant 0 : i32
      %dma_wait3A_51 = tpu.memref_slice %arg8[%run_scoped3A, %dma_wait3A_50] : memref<5x128xi32, #tpu.memory_space<vmem>> -> memref<1x128xi32, #tpu.memory_space<vmem>>
      %dma_wait3A_52 = tpu.memref_squeeze %dma_wait3A_51 : memref<1x128xi32, #tpu.memory_space<vmem>> -> memref<128xi32, #tpu.memory_space<vmem>>
      %dma_wait3A_53 = arith.constant 0 : i32
      %dma_wait3A_54 = arith.constant 0 : i32
      %dma_wait3A_55 = tpu.memref_slice %arg9[%dma_wait3A_53, %dma_wait3A_54] : memref<640x128xf32, #tpu.memory_space<vmem_shared>> -> memref<640x128xf32, #tpu.memory_space<vmem_shared>>
      tpu.wait_indirect_dma semaphore(%run_scoped3A_37 : memref<!tpu.dma_semaphore, #tpu.memory_space<semaphore_mem>>) src(%dma_wait3A_49 : memref<128x128xf32, #tpu.memory_space<vmem>>) dst(%dma_wait3A_55 : memref<640x128xf32, #tpu.memory_space<vmem_shared>>)
      tpu.yield
    }) : () -> ()
    %run_scoped3A_28 = arith.constant 1 : i32
    "tpu.region"() ({
      %run_scoped3A_37 = tpu.sem_alloc : memref<!tpu.dma_semaphore, #tpu.memory_space<semaphore_mem>>
      %dma_start3A_38 = arith.constant 128 : i32
      %dma_start3A_39 = arith.constant 0 : i32
      %dma_start3A_40 = tpu.memref_slice %arg7[%dma_start3A_38, %dma_start3A_39] : memref<640x128xf32, #tpu.memory_space<vmem>> -> memref<128x128xf32, #tpu.memory_space<vmem>>
      %dma_start3A_41 = arith.constant 0 : i32
      %dma_start3A_42 = tpu.memref_slice %arg8[%run_scoped3A_28, %dma_start3A_41] : memref<5x128xi32, #tpu.memory_space<vmem>> -> memref<1x128xi32, #tpu.memory_space<vmem>>
      %dma_start3A_43 = tpu.memref_squeeze %dma_start3A_42 : memref<1x128xi32, #tpu.memory_space<vmem>> -> memref<128xi32, #tpu.memory_space<vmem>>
      %dma_start3A_44 = arith.constant 0 : i32
      %dma_start3A_45 = arith.constant 0 : i32
      %dma_start3A_46 = tpu.memref_slice %arg9[%dma_start3A_44, %dma_start3A_45] : memref<640x128xf32, #tpu.memory_space<vmem_shared>> -> memref<640x128xf32, #tpu.memory_space<vmem_shared>>
      tpu.enqueue_indirect_dma source(%dma_start3A_40 : memref<128x128xf32, #tpu.memory_space<vmem>>) target(%dma_start3A_46 : memref<640x128xf32, #tpu.memory_space<vmem_shared>>) offsets(%dma_start3A_43 : memref<128xi32, #tpu.memory_space<vmem>>) semaphore(%run_scoped3A_37 : memref<!tpu.dma_semaphore, #tpu.memory_space<semaphore_mem>>) {add = true}
      %dma_wait3A_47 = arith.constant 128 : i32
      %dma_wait3A_48 = arith.constant 0 : i32
      %dma_wait3A_49 = tpu.memref_slice %arg7[%dma_wait3A_47, %dma_wait3A_48] : memref<640x128xf32, #tpu.memory_space<vmem>> -> memref<128x128xf32, #tpu.memory_space<vmem>>
      %dma_wait3A_50 = arith.constant 0 : i32
      %dma_wait3A_51 = tpu.memref_slice %arg8[%run_scoped3A_28, %dma_wait3A_50] : memref<5x128xi32, #tpu.memory_space<vmem>> -> memref<1x128xi32, #tpu.memory_space<vmem>>
      %dma_wait3A_52 = tpu.memref_squeeze %dma_wait3A_51 : memref<1x128xi32, #tpu.memory_space<vmem>> -> memref<128xi32, #tpu.memory_space<vmem>>
      %dma_wait3A_53 = arith.constant 0 : i32
      %dma_wait3A_54 = arith.constant 0 : i32
      %dma_wait3A_55 = tpu.memref_slice %arg9[%dma_wait3A_53, %dma_wait3A_54] : memref<640x128xf32, #tpu.memory_space<vmem_shared>> -> memref<640x128xf32, #tpu.memory_space<vmem_shared>>
      tpu.wait_indirect_dma semaphore(%run_scoped3A_37 : memref<!tpu.dma_semaphore, #tpu.memory_space<semaphore_mem>>) src(%dma_wait3A_49 : memref<128x128xf32, #tpu.memory_space<vmem>>) dst(%dma_wait3A_55 : memref<640x128xf32, #tpu.memory_space<vmem_shared>>)
      tpu.yield
    }) : () -> ()
    %run_scoped3A_29 = arith.constant 2 : i32
    "tpu.region"() ({
      %run_scoped3A_37 = tpu.sem_alloc : memref<!tpu.dma_semaphore, #tpu.memory_space<semaphore_mem>>
      %dma_start3A_38 = arith.constant 256 : i32
      %dma_start3A_39 = arith.constant 0 : i32
      %dma_start3A_40 = tpu.memref_slice %arg7[%dma_start3A_38, %dma_start3A_39] : memref<640x128xf32, #tpu.memory_space<vmem>> -> memref<128x128xf32, #tpu.memory_space<vmem>>
      %dma_start3A_41 = arith.constant 0 : i32
      %dma_start3A_42 = tpu.memref_slice %arg8[%run_scoped3A_29, %dma_start3A_41] : memref<5x128xi32, #tpu.memory_space<vmem>> -> memref<1x128xi32, #tpu.memory_space<vmem>>
      %dma_start3A_43 = tpu.memref_squeeze %dma_start3A_42 : memref<1x128xi32, #tpu.memory_space<vmem>> -> memref<128xi32, #tpu.memory_space<vmem>>
      %dma_start3A_44 = arith.constant 0 : i32
      %dma_start3A_45 = arith.constant 0 : i32
      %dma_start3A_46 = tpu.memref_slice %arg9[%dma_start3A_44, %dma_start3A_45] : memref<640x128xf32, #tpu.memory_space<vmem_shared>> -> memref<640x128xf32, #tpu.memory_space<vmem_shared>>
      tpu.enqueue_indirect_dma source(%dma_start3A_40 : memref<128x128xf32, #tpu.memory_space<vmem>>) target(%dma_start3A_46 : memref<640x128xf32, #tpu.memory_space<vmem_shared>>) offsets(%dma_start3A_43 : memref<128xi32, #tpu.memory_space<vmem>>) semaphore(%run_scoped3A_37 : memref<!tpu.dma_semaphore, #tpu.memory_space<semaphore_mem>>) {add = true}
      %dma_wait3A_47 = arith.constant 256 : i32
      %dma_wait3A_48 = arith.constant 0 : i32
      %dma_wait3A_49 = tpu.memref_slice %arg7[%dma_wait3A_47, %dma_wait3A_48] : memref<640x128xf32, #tpu.memory_space<vmem>> -> memref<128x128xf32, #tpu.memory_space<vmem>>
      %dma_wait3A_50 = arith.constant 0 : i32
      %dma_wait3A_51 = tpu.memref_slice %arg8[%run_scoped3A_29, %dma_wait3A_50] : memref<5x128xi32, #tpu.memory_space<vmem>> -> memref<1x128xi32, #tpu.memory_space<vmem>>
      %dma_wait3A_52 = tpu.memref_squeeze %dma_wait3A_51 : memref<1x128xi32, #tpu.memory_space<vmem>> -> memref<128xi32, #tpu.memory_space<vmem>>
      %dma_wait3A_53 = arith.constant 0 : i32
      %dma_wait3A_54 = arith.constant 0 : i32
      %dma_wait3A_55 = tpu.memref_slice %arg9[%dma_wait3A_53, %dma_wait3A_54] : memref<640x128xf32, #tpu.memory_space<vmem_shared>> -> memref<640x128xf32, #tpu.memory_space<vmem_shared>>
      tpu.wait_indirect_dma semaphore(%run_scoped3A_37 : memref<!tpu.dma_semaphore, #tpu.memory_space<semaphore_mem>>) src(%dma_wait3A_49 : memref<128x128xf32, #tpu.memory_space<vmem>>) dst(%dma_wait3A_55 : memref<640x128xf32, #tpu.memory_space<vmem_shared>>)
      tpu.yield
    }) : () -> ()
    %run_scoped3A_30 = arith.constant 3 : i32
    "tpu.region"() ({
      %run_scoped3A_37 = tpu.sem_alloc : memref<!tpu.dma_semaphore, #tpu.memory_space<semaphore_mem>>
      %dma_start3A_38 = arith.constant 384 : i32
      %dma_start3A_39 = arith.constant 0 : i32
      %dma_start3A_40 = tpu.memref_slice %arg7[%dma_start3A_38, %dma_start3A_39] : memref<640x128xf32, #tpu.memory_space<vmem>> -> memref<128x128xf32, #tpu.memory_space<vmem>>
      %dma_start3A_41 = arith.constant 0 : i32
      %dma_start3A_42 = tpu.memref_slice %arg8[%run_scoped3A_30, %dma_start3A_41] : memref<5x128xi32, #tpu.memory_space<vmem>> -> memref<1x128xi32, #tpu.memory_space<vmem>>
      %dma_start3A_43 = tpu.memref_squeeze %dma_start3A_42 : memref<1x128xi32, #tpu.memory_space<vmem>> -> memref<128xi32, #tpu.memory_space<vmem>>
      %dma_start3A_44 = arith.constant 0 : i32
      %dma_start3A_45 = arith.constant 0 : i32
      %dma_start3A_46 = tpu.memref_slice %arg9[%dma_start3A_44, %dma_start3A_45] : memref<640x128xf32, #tpu.memory_space<vmem_shared>> -> memref<640x128xf32, #tpu.memory_space<vmem_shared>>
      tpu.enqueue_indirect_dma source(%dma_start3A_40 : memref<128x128xf32, #tpu.memory_space<vmem>>) target(%dma_start3A_46 : memref<640x128xf32, #tpu.memory_space<vmem_shared>>) offsets(%dma_start3A_43 : memref<128xi32, #tpu.memory_space<vmem>>) semaphore(%run_scoped3A_37 : memref<!tpu.dma_semaphore, #tpu.memory_space<semaphore_mem>>) {add = true}
      %dma_wait3A_47 = arith.constant 384 : i32
      %dma_wait3A_48 = arith.constant 0 : i32
      %dma_wait3A_49 = tpu.memref_slice %arg7[%dma_wait3A_47, %dma_wait3A_48] : memref<640x128xf32, #tpu.memory_space<vmem>> -> memref<128x128xf32, #tpu.memory_space<vmem>>
      %dma_wait3A_50 = arith.constant 0 : i32
      %dma_wait3A_51 = tpu.memref_slice %arg8[%run_scoped3A_30, %dma_wait3A_50] : memref<5x128xi32, #tpu.memory_space<vmem>> -> memref<1x128xi32, #tpu.memory_space<vmem>>
      %dma_wait3A_52 = tpu.memref_squeeze %dma_wait3A_51 : memref<1x128xi32, #tpu.memory_space<vmem>> -> memref<128xi32, #tpu.memory_space<vmem>>
      %dma_wait3A_53 = arith.constant 0 : i32
      %dma_wait3A_54 = arith.constant 0 : i32
      %dma_wait3A_55 = tpu.memref_slice %arg9[%dma_wait3A_53, %dma_wait3A_54] : memref<640x128xf32, #tpu.memory_space<vmem_shared>> -> memref<640x128xf32, #tpu.memory_space<vmem_shared>>
      tpu.wait_indirect_dma semaphore(%run_scoped3A_37 : memref<!tpu.dma_semaphore, #tpu.memory_space<semaphore_mem>>) src(%dma_wait3A_49 : memref<128x128xf32, #tpu.memory_space<vmem>>) dst(%dma_wait3A_55 : memref<640x128xf32, #tpu.memory_space<vmem_shared>>)
      tpu.yield
    }) : () -> ()
    %run_scoped3A_31 = arith.constant 4 : i32
    "tpu.region"() ({
      %run_scoped3A_37 = tpu.sem_alloc : memref<!tpu.dma_semaphore, #tpu.memory_space<semaphore_mem>>
      %dma_start3A_38 = arith.constant 512 : i32
      %dma_start3A_39 = arith.constant 0 : i32
      %dma_start3A_40 = tpu.memref_slice %arg7[%dma_start3A_38, %dma_start3A_39] : memref<640x128xf32, #tpu.memory_space<vmem>> -> memref<128x128xf32, #tpu.memory_space<vmem>>
      %dma_start3A_41 = arith.constant 0 : i32
      %dma_start3A_42 = tpu.memref_slice %arg8[%run_scoped3A_31, %dma_start3A_41] : memref<5x128xi32, #tpu.memory_space<vmem>> -> memref<1x128xi32, #tpu.memory_space<vmem>>
      %dma_start3A_43 = tpu.memref_squeeze %dma_start3A_42 : memref<1x128xi32, #tpu.memory_space<vmem>> -> memref<128xi32, #tpu.memory_space<vmem>>
      %dma_start3A_44 = arith.constant 0 : i32
      %dma_start3A_45 = arith.constant 0 : i32
      %dma_start3A_46 = tpu.memref_slice %arg9[%dma_start3A_44, %dma_start3A_45] : memref<640x128xf32, #tpu.memory_space<vmem_shared>> -> memref<640x128xf32, #tpu.memory_space<vmem_shared>>
      tpu.enqueue_indirect_dma source(%dma_start3A_40 : memref<128x128xf32, #tpu.memory_space<vmem>>) target(%dma_start3A_46 : memref<640x128xf32, #tpu.memory_space<vmem_shared>>) offsets(%dma_start3A_43 : memref<128xi32, #tpu.memory_space<vmem>>) semaphore(%run_scoped3A_37 : memref<!tpu.dma_semaphore, #tpu.memory_space<semaphore_mem>>) {add = true}
      %dma_wait3A_47 = arith.constant 512 : i32
      %dma_wait3A_48 = arith.constant 0 : i32
      %dma_wait3A_49 = tpu.memref_slice %arg7[%dma_wait3A_47, %dma_wait3A_48] : memref<640x128xf32, #tpu.memory_space<vmem>> -> memref<128x128xf32, #tpu.memory_space<vmem>>
      %dma_wait3A_50 = arith.constant 0 : i32
      %dma_wait3A_51 = tpu.memref_slice %arg8[%run_scoped3A_31, %dma_wait3A_50] : memref<5x128xi32, #tpu.memory_space<vmem>> -> memref<1x128xi32, #tpu.memory_space<vmem>>
      %dma_wait3A_52 = tpu.memref_squeeze %dma_wait3A_51 : memref<1x128xi32, #tpu.memory_space<vmem>> -> memref<128xi32, #tpu.memory_space<vmem>>
      %dma_wait3A_53 = arith.constant 0 : i32
      %dma_wait3A_54 = arith.constant 0 : i32
      %dma_wait3A_55 = tpu.memref_slice %arg9[%dma_wait3A_53, %dma_wait3A_54] : memref<640x128xf32, #tpu.memory_space<vmem_shared>> -> memref<640x128xf32, #tpu.memory_space<vmem_shared>>
      tpu.wait_indirect_dma semaphore(%run_scoped3A_37 : memref<!tpu.dma_semaphore, #tpu.memory_space<semaphore_mem>>) src(%dma_wait3A_49 : memref<128x128xf32, #tpu.memory_space<vmem>>) dst(%dma_wait3A_55 : memref<640x128xf32, #tpu.memory_space<vmem_shared>>)
      tpu.yield
    }) : () -> ()
    %barrier3A_32 = arith.constant 0 : index
    tpu.barrier barrier_id(%barrier3A_32)
    %mul3A_33 = arith.constant 40 : i32
    %mul3A_34 = arith.muli %arg1, %mul3A_33 : i32
    %mul3A_35 = arith.constant 40 : i32
    %mul3A_36 = arith.muli %arg1, %mul3A_35 : i32
    "tpu.region"() ({
      %run_scoped3A_37 = tpu.sem_alloc : memref<!tpu.dma_semaphore, #tpu.memory_space<semaphore_mem>>
      %dma_start3A_38 = arith.constant 0 : i32
      %dma_start3A_39 = tpu.memref_slice %arg5[%arg0, %mul3A_36, %dma_start3A_38] : memref<2x640x128xf32, #tpu.memory_space<hbm>> -> memref<1x40x128xf32, #tpu.memory_space<hbm>>
      %dma_start3A_40 = tpu.memref_squeeze %dma_start3A_39 : memref<1x40x128xf32, #tpu.memory_space<hbm>> -> memref<40x128xf32, #tpu.memory_space<hbm>>
      %dma_start3A_41 = arith.constant 0 : i32
      %dma_start3A_42 = tpu.memref_slice %arg9[%mul3A_34, %dma_start3A_41] : memref<640x128xf32, #tpu.memory_space<vmem_shared>> -> memref<40x128xf32, #tpu.memory_space<vmem_shared>>
      tpu.enqueue_dma source(%dma_start3A_42 : memref<40x128xf32, #tpu.memory_space<vmem_shared>>) target(%dma_start3A_40 : memref<40x128xf32, #tpu.memory_space<hbm>>) target_semaphore(%run_scoped3A_37 : memref<!tpu.dma_semaphore, #tpu.memory_space<semaphore_mem>>)
      %dma_wait3A_43 = arith.constant 0 : i32
      %dma_wait3A_44 = tpu.memref_slice %arg5[%arg0, %mul3A_36, %dma_wait3A_43] : memref<2x640x128xf32, #tpu.memory_space<hbm>> -> memref<1x40x128xf32, #tpu.memory_space<hbm>>
      %dma_wait3A_45 = tpu.memref_squeeze %dma_wait3A_44 : memref<1x40x128xf32, #tpu.memory_space<hbm>> -> memref<40x128xf32, #tpu.memory_space<hbm>>
      %dma_wait3A_46 = arith.constant 0 : i32
      %dma_wait3A_47 = tpu.memref_slice %arg9[%mul3A_34, %dma_wait3A_46] : memref<640x128xf32, #tpu.memory_space<vmem_shared>> -> memref<40x128xf32, #tpu.memory_space<vmem_shared>>
      tpu.wait_dma2 semaphore(%run_scoped3A_37 : memref<!tpu.dma_semaphore, #tpu.memory_space<semaphore_mem>>) src(%dma_wait3A_47 : memref<40x128xf32, #tpu.memory_space<vmem_shared>>) dst(%dma_wait3A_45 : memref<40x128xf32, #tpu.memory_space<hbm>>)
      tpu.yield
    }) : () -> ()
    return
  }
}

#map = affine_map<(d0, d1) -> (0, 0)>
#map1 = affine_map<(d0, d1) -> (0, 0, 0)>
module attributes {stable_mosaic.version = 14 : i64} {
  func.func @agg_kernel(%arg0: i32, %arg1: i32, %arg2: memref<10000x128xf32, #tpu.memory_space<hbm>>, %arg3: memref<32x88x128xi32, #tpu.memory_space<hbm>>, %arg4: memref<32x88x128xi32, #tpu.memory_space<hbm>>, %arg5: memref<640x128xf32, #tpu.memory_space<hbm>>, %arg6: memref<2x10112x128xf32, #tpu.memory_space<hbm>>, %arg7: memref<88x128xi32, #tpu.memory_space<vmem>>, %arg8: memref<88x128xi32, #tpu.memory_space<vmem>>, %arg9: memref<128x128xf32, #tpu.memory_space<vmem>>, %arg10: memref<10240x128xf32, #tpu.memory_space<vmem_shared>>, %arg11: memref<!tpu.dma_semaphore, #tpu.memory_space<semaphore_mem>>) attributes {dimension_semantics = [#tpu.dimension_semantics<core_parallel>, #tpu.dimension_semantics<subcore_parallel>], iteration_bounds = array<i64: 2, 16>, scalar_prefetch = 0 : i64, scratch_operands = 5 : i64, tpu.core_type = #tpu.core_type<sc_vector_subcore>, window_params = [{transform_indices = #map}, {transform_indices = #map1}, {transform_indices = #map1}, {transform_indices = #map}, {transform_indices = #map1}]} {
    %mul3A = arith.constant 16 : i32
    %mul3A_0 = arith.muli %arg0, %mul3A : i32
    %add3A = arith.addi %mul3A_0, %arg1 : i32
    %mul3A_1 = arith.constant 640 : i32
    %mul3A_2 = arith.muli %arg1, %mul3A_1 : i32
    "tpu.region"() ({
      %run_scoped3A = tpu.sem_alloc : memref<!tpu.dma_semaphore, #tpu.memory_space<semaphore_mem>>
      %dma_start3A_42 = arith.constant 0 : i32
      %dma_start3A_43 = tpu.memref_slice %arg10[%mul3A_2, %dma_start3A_42] : memref<10240x128xf32, #tpu.memory_space<vmem_shared>> -> memref<640x128xf32, #tpu.memory_space<vmem_shared>>
      tpu.enqueue_dma source(%arg5 : memref<640x128xf32, #tpu.memory_space<hbm>>) target(%dma_start3A_43 : memref<640x128xf32, #tpu.memory_space<vmem_shared>>) target_semaphore(%run_scoped3A : memref<!tpu.dma_semaphore, #tpu.memory_space<semaphore_mem>>)
      %dma_wait3A_44 = arith.constant 0 : i32
      %dma_wait3A_45 = tpu.memref_slice %arg10[%mul3A_2, %dma_wait3A_44] : memref<10240x128xf32, #tpu.memory_space<vmem_shared>> -> memref<640x128xf32, #tpu.memory_space<vmem_shared>>
      tpu.wait_dma2 semaphore(%run_scoped3A : memref<!tpu.dma_semaphore, #tpu.memory_space<semaphore_mem>>) src(%arg5 : memref<640x128xf32, #tpu.memory_space<hbm>>) dst(%dma_wait3A_45 : memref<640x128xf32, #tpu.memory_space<vmem_shared>>)
      tpu.yield
    }) : () -> ()
    %dma_start3A = arith.constant 0 : i32
    %dma_start3A_3 = arith.constant 0 : i32
    %dma_start3A_4 = tpu.memref_slice %arg3[%add3A, %dma_start3A, %dma_start3A_3] : memref<32x88x128xi32, #tpu.memory_space<hbm>> -> memref<1x88x128xi32, #tpu.memory_space<hbm>>
    %dma_start3A_5 = tpu.memref_squeeze %dma_start3A_4 : memref<1x88x128xi32, #tpu.memory_space<hbm>> -> memref<88x128xi32, #tpu.memory_space<hbm>>
    %dma_start3A_6 = arith.constant 0 : i32
    %dma_start3A_7 = arith.constant 0 : i32
    %dma_start3A_8 = tpu.memref_slice %arg3[%add3A, %dma_start3A_6, %dma_start3A_7] : memref<32x88x128xi32, #tpu.memory_space<hbm>> -> memref<1x88x128xi32, #tpu.memory_space<hbm>>
    %dma_start3A_9 = tpu.memref_squeeze %dma_start3A_8 : memref<1x88x128xi32, #tpu.memory_space<hbm>> -> memref<88x128xi32, #tpu.memory_space<hbm>>
    tpu.enqueue_dma source(%dma_start3A_9 : memref<88x128xi32, #tpu.memory_space<hbm>>) target(%arg7 : memref<88x128xi32, #tpu.memory_space<vmem>>) target_semaphore(%arg11 : memref<!tpu.dma_semaphore, #tpu.memory_space<semaphore_mem>>)
    %dma_wait3A = arith.constant 0 : i32
    %dma_wait3A_10 = arith.constant 0 : i32
    %dma_wait3A_11 = tpu.memref_slice %arg3[%add3A, %dma_wait3A, %dma_wait3A_10] : memref<32x88x128xi32, #tpu.memory_space<hbm>> -> memref<1x88x128xi32, #tpu.memory_space<hbm>>
    %dma_wait3A_12 = tpu.memref_squeeze %dma_wait3A_11 : memref<1x88x128xi32, #tpu.memory_space<hbm>> -> memref<88x128xi32, #tpu.memory_space<hbm>>
    %dma_wait3A_13 = arith.constant 0 : i32
    %dma_wait3A_14 = arith.constant 0 : i32
    %dma_wait3A_15 = tpu.memref_slice %arg3[%add3A, %dma_wait3A_13, %dma_wait3A_14] : memref<32x88x128xi32, #tpu.memory_space<hbm>> -> memref<1x88x128xi32, #tpu.memory_space<hbm>>
    %dma_wait3A_16 = tpu.memref_squeeze %dma_wait3A_15 : memref<1x88x128xi32, #tpu.memory_space<hbm>> -> memref<88x128xi32, #tpu.memory_space<hbm>>
    tpu.wait_dma2 semaphore(%arg11 : memref<!tpu.dma_semaphore, #tpu.memory_space<semaphore_mem>>) src(%dma_wait3A_16 : memref<88x128xi32, #tpu.memory_space<hbm>>) dst(%arg7 : memref<88x128xi32, #tpu.memory_space<vmem>>)
    %dma_start3A_17 = arith.constant 0 : i32
    %dma_start3A_18 = arith.constant 0 : i32
    %dma_start3A_19 = tpu.memref_slice %arg4[%add3A, %dma_start3A_17, %dma_start3A_18] : memref<32x88x128xi32, #tpu.memory_space<hbm>> -> memref<1x88x128xi32, #tpu.memory_space<hbm>>
    %dma_start3A_20 = tpu.memref_squeeze %dma_start3A_19 : memref<1x88x128xi32, #tpu.memory_space<hbm>> -> memref<88x128xi32, #tpu.memory_space<hbm>>
    %dma_start3A_21 = arith.constant 0 : i32
    %dma_start3A_22 = arith.constant 0 : i32
    %dma_start3A_23 = tpu.memref_slice %arg4[%add3A, %dma_start3A_21, %dma_start3A_22] : memref<32x88x128xi32, #tpu.memory_space<hbm>> -> memref<1x88x128xi32, #tpu.memory_space<hbm>>
    %dma_start3A_24 = tpu.memref_squeeze %dma_start3A_23 : memref<1x88x128xi32, #tpu.memory_space<hbm>> -> memref<88x128xi32, #tpu.memory_space<hbm>>
    tpu.enqueue_dma source(%dma_start3A_24 : memref<88x128xi32, #tpu.memory_space<hbm>>) target(%arg8 : memref<88x128xi32, #tpu.memory_space<vmem>>) target_semaphore(%arg11 : memref<!tpu.dma_semaphore, #tpu.memory_space<semaphore_mem>>)
    %dma_wait3A_25 = arith.constant 0 : i32
    %dma_wait3A_26 = arith.constant 0 : i32
    %dma_wait3A_27 = tpu.memref_slice %arg4[%add3A, %dma_wait3A_25, %dma_wait3A_26] : memref<32x88x128xi32, #tpu.memory_space<hbm>> -> memref<1x88x128xi32, #tpu.memory_space<hbm>>
    %dma_wait3A_28 = tpu.memref_squeeze %dma_wait3A_27 : memref<1x88x128xi32, #tpu.memory_space<hbm>> -> memref<88x128xi32, #tpu.memory_space<hbm>>
    %dma_wait3A_29 = arith.constant 0 : i32
    %dma_wait3A_30 = arith.constant 0 : i32
    %dma_wait3A_31 = tpu.memref_slice %arg4[%add3A, %dma_wait3A_29, %dma_wait3A_30] : memref<32x88x128xi32, #tpu.memory_space<hbm>> -> memref<1x88x128xi32, #tpu.memory_space<hbm>>
    %dma_wait3A_32 = tpu.memref_squeeze %dma_wait3A_31 : memref<1x88x128xi32, #tpu.memory_space<hbm>> -> memref<88x128xi32, #tpu.memory_space<hbm>>
    tpu.wait_dma2 semaphore(%arg11 : memref<!tpu.dma_semaphore, #tpu.memory_space<semaphore_mem>>) src(%dma_wait3A_32 : memref<88x128xi32, #tpu.memory_space<hbm>>) dst(%arg8 : memref<88x128xi32, #tpu.memory_space<vmem>>)
    %barrier3A = arith.constant 0 : index
    tpu.barrier barrier_id(%barrier3A)
    %scan3A = arith.constant 0 : i32
    %scan3A_33 = arith.constant 80 : i32
    %scan3A_34 = arith.addi %scan3A, %scan3A_33 : i32
    %scan3A_35 = arith.constant 1 : i32
    scf.for %scan3A_42 = %scan3A to %scan3A_34 step %scan3A_35  : i32 {
      %mul3A_43 = arith.constant 1 : i32
      %mul3A_44 = arith.muli %scan3A_42, %mul3A_43 : i32
      %add3A_45 = arith.constant 0 : i32
      %add3A_46 = arith.addi %add3A_45, %mul3A_44 : i32
      %dma_start3A_47 = arith.constant 0 : i32
      %dma_start3A_48 = tpu.memref_slice %arg7[%add3A_46, %dma_start3A_47] : memref<88x128xi32, #tpu.memory_space<vmem>> -> memref<1x128xi32, #tpu.memory_space<vmem>>
      %dma_start3A_49 = tpu.memref_squeeze %dma_start3A_48 : memref<1x128xi32, #tpu.memory_space<vmem>> -> memref<128xi32, #tpu.memory_space<vmem>>
      %dma_start3A_50 = arith.constant 0 : i32
      %dma_start3A_51 = arith.constant 0 : i32
      %dma_start3A_52 = tpu.memref_slice %arg2[%dma_start3A_50, %dma_start3A_51] : memref<10000x128xf32, #tpu.memory_space<hbm>> -> memref<10000x128xf32, #tpu.memory_space<hbm>>
      tpu.enqueue_indirect_dma source(%dma_start3A_52 : memref<10000x128xf32, #tpu.memory_space<hbm>>) target(%arg9 : memref<128x128xf32, #tpu.memory_space<vmem>>) offsets(%dma_start3A_49 : memref<128xi32, #tpu.memory_space<vmem>>) semaphore(%arg11 : memref<!tpu.dma_semaphore, #tpu.memory_space<semaphore_mem>>)
      %dma_wait3A_53 = arith.constant 0 : i32
      %dma_wait3A_54 = tpu.memref_slice %arg7[%add3A_46, %dma_wait3A_53] : memref<88x128xi32, #tpu.memory_space<vmem>> -> memref<1x128xi32, #tpu.memory_space<vmem>>
      %dma_wait3A_55 = tpu.memref_squeeze %dma_wait3A_54 : memref<1x128xi32, #tpu.memory_space<vmem>> -> memref<128xi32, #tpu.memory_space<vmem>>
      %dma_wait3A_56 = arith.constant 0 : i32
      %dma_wait3A_57 = arith.constant 0 : i32
      %dma_wait3A_58 = tpu.memref_slice %arg2[%dma_wait3A_56, %dma_wait3A_57] : memref<10000x128xf32, #tpu.memory_space<hbm>> -> memref<10000x128xf32, #tpu.memory_space<hbm>>
      tpu.wait_indirect_dma semaphore(%arg11 : memref<!tpu.dma_semaphore, #tpu.memory_space<semaphore_mem>>) src(%dma_wait3A_58 : memref<10000x128xf32, #tpu.memory_space<hbm>>) dst(%arg9 : memref<128x128xf32, #tpu.memory_space<vmem>>)
      "tpu.region"() ({
        %run_scoped3A = tpu.sem_alloc : memref<!tpu.dma_semaphore, #tpu.memory_space<semaphore_mem>>
        %dma_start3A_59 = arith.constant 0 : i32
        %dma_start3A_60 = tpu.memref_slice %arg8[%add3A_46, %dma_start3A_59] : memref<88x128xi32, #tpu.memory_space<vmem>> -> memref<1x128xi32, #tpu.memory_space<vmem>>
        %dma_start3A_61 = tpu.memref_squeeze %dma_start3A_60 : memref<1x128xi32, #tpu.memory_space<vmem>> -> memref<128xi32, #tpu.memory_space<vmem>>
        %dma_start3A_62 = arith.constant 0 : i32
        %dma_start3A_63 = arith.constant 0 : i32
        %dma_start3A_64 = tpu.memref_slice %arg10[%dma_start3A_62, %dma_start3A_63] : memref<10240x128xf32, #tpu.memory_space<vmem_shared>> -> memref<10240x128xf32, #tpu.memory_space<vmem_shared>>
        tpu.enqueue_indirect_dma source(%arg9 : memref<128x128xf32, #tpu.memory_space<vmem>>) target(%dma_start3A_64 : memref<10240x128xf32, #tpu.memory_space<vmem_shared>>) offsets(%dma_start3A_61 : memref<128xi32, #tpu.memory_space<vmem>>) semaphore(%run_scoped3A : memref<!tpu.dma_semaphore, #tpu.memory_space<semaphore_mem>>) {add = true}
        %dma_wait3A_65 = arith.constant 0 : i32
        %dma_wait3A_66 = tpu.memref_slice %arg8[%add3A_46, %dma_wait3A_65] : memref<88x128xi32, #tpu.memory_space<vmem>> -> memref<1x128xi32, #tpu.memory_space<vmem>>
        %dma_wait3A_67 = tpu.memref_squeeze %dma_wait3A_66 : memref<1x128xi32, #tpu.memory_space<vmem>> -> memref<128xi32, #tpu.memory_space<vmem>>
        %dma_wait3A_68 = arith.constant 0 : i32
        %dma_wait3A_69 = arith.constant 0 : i32
        %dma_wait3A_70 = tpu.memref_slice %arg10[%dma_wait3A_68, %dma_wait3A_69] : memref<10240x128xf32, #tpu.memory_space<vmem_shared>> -> memref<10240x128xf32, #tpu.memory_space<vmem_shared>>
        tpu.wait_indirect_dma semaphore(%run_scoped3A : memref<!tpu.dma_semaphore, #tpu.memory_space<semaphore_mem>>) src(%arg9 : memref<128x128xf32, #tpu.memory_space<vmem>>) dst(%dma_wait3A_70 : memref<10240x128xf32, #tpu.memory_space<vmem_shared>>)
        tpu.yield
      }) : () -> ()
    }
    %scan3A_36 = arith.constant 80 : i32
    %barrier3A_37 = arith.constant 0 : index
    tpu.barrier barrier_id(%barrier3A_37)
    %mul3A_38 = arith.constant 632 : i32
    %mul3A_39 = arith.muli %arg1, %mul3A_38 : i32
    %mul3A_40 = arith.constant 632 : i32
    %mul3A_41 = arith.muli %arg1, %mul3A_40 : i32
    "tpu.region"() ({
      %run_scoped3A = tpu.sem_alloc : memref<!tpu.dma_semaphore, #tpu.memory_space<semaphore_mem>>
      %dma_start3A_42 = arith.constant 0 : i32
      %dma_start3A_43 = tpu.memref_slice %arg6[%arg0, %mul3A_41, %dma_start3A_42] : memref<2x10112x128xf32, #tpu.memory_space<hbm>> -> memref<1x632x128xf32, #tpu.memory_space<hbm>>
      %dma_start3A_44 = tpu.memref_squeeze %dma_start3A_43 : memref<1x632x128xf32, #tpu.memory_space<hbm>> -> memref<632x128xf32, #tpu.memory_space<hbm>>
      %dma_start3A_45 = arith.constant 0 : i32
      %dma_start3A_46 = tpu.memref_slice %arg10[%mul3A_39, %dma_start3A_45] : memref<10240x128xf32, #tpu.memory_space<vmem_shared>> -> memref<632x128xf32, #tpu.memory_space<vmem_shared>>
      tpu.enqueue_dma source(%dma_start3A_46 : memref<632x128xf32, #tpu.memory_space<vmem_shared>>) target(%dma_start3A_44 : memref<632x128xf32, #tpu.memory_space<hbm>>) target_semaphore(%run_scoped3A : memref<!tpu.dma_semaphore, #tpu.memory_space<semaphore_mem>>)
      %dma_wait3A_47 = arith.constant 0 : i32
      %dma_wait3A_48 = tpu.memref_slice %arg6[%arg0, %mul3A_41, %dma_wait3A_47] : memref<2x10112x128xf32, #tpu.memory_space<hbm>> -> memref<1x632x128xf32, #tpu.memory_space<hbm>>
      %dma_wait3A_49 = tpu.memref_squeeze %dma_wait3A_48 : memref<1x632x128xf32, #tpu.memory_space<hbm>> -> memref<632x128xf32, #tpu.memory_space<hbm>>
      %dma_wait3A_50 = arith.constant 0 : i32
      %dma_wait3A_51 = tpu.memref_slice %arg10[%mul3A_39, %dma_wait3A_50] : memref<10240x128xf32, #tpu.memory_space<vmem_shared>> -> memref<632x128xf32, #tpu.memory_space<vmem_shared>>
      tpu.wait_dma2 semaphore(%run_scoped3A : memref<!tpu.dma_semaphore, #tpu.memory_space<semaphore_mem>>) src(%dma_wait3A_51 : memref<632x128xf32, #tpu.memory_space<vmem_shared>>) dst(%dma_wait3A_49 : memref<632x128xf32, #tpu.memory_space<hbm>>)
      tpu.yield
    }) : () -> ()
    return
  }
}

#map = affine_map<(d0, d1) -> (0, 0)>
#map1 = affine_map<(d0, d1) -> (0, 0, 0)>
module attributes {stable_mosaic.version = 14 : i64} {
  func.func @agg_kernel(%arg0: i32, %arg1: i32, %arg2: memref<10000x128xf32, #tpu.memory_space<hbm>>, %arg3: memref<32x88x128xi32, #tpu.memory_space<hbm>>, %arg4: memref<32x88x128xi32, #tpu.memory_space<hbm>>, %arg5: memref<640x128xf32, #tpu.memory_space<hbm>>, %arg6: memref<2x10112x128xf32, #tpu.memory_space<hbm>>, %arg7: memref<88x128xi32, #tpu.memory_space<vmem>>, %arg8: memref<88x128xi32, #tpu.memory_space<vmem>>, %arg9: memref<128x128xf32, #tpu.memory_space<vmem>>, %arg10: memref<10240x128xf32, #tpu.memory_space<vmem_shared>>, %arg11: memref<!tpu.dma_semaphore, #tpu.memory_space<semaphore_mem>>) attributes {dimension_semantics = [#tpu.dimension_semantics<core_parallel>, #tpu.dimension_semantics<subcore_parallel>], iteration_bounds = array<i64: 2, 16>, scalar_prefetch = 0 : i64, scratch_operands = 5 : i64, tpu.core_type = #tpu.core_type<sc_vector_subcore>, window_params = [{transform_indices = #map}, {transform_indices = #map1}, {transform_indices = #map1}, {transform_indices = #map}, {transform_indices = #map1}]} {
    %mul3A = arith.constant 16 : i32
    %mul3A_0 = arith.muli %arg0, %mul3A : i32
    %add3A = arith.addi %mul3A_0, %arg1 : i32
    %mul3A_1 = arith.constant 640 : i32
    %mul3A_2 = arith.muli %arg1, %mul3A_1 : i32
    "tpu.region"() ({
      %run_scoped3A = tpu.sem_alloc : memref<!tpu.dma_semaphore, #tpu.memory_space<semaphore_mem>>
      %dma_start3A_42 = arith.constant 0 : i32
      %dma_start3A_43 = tpu.memref_slice %arg10[%mul3A_2, %dma_start3A_42] : memref<10240x128xf32, #tpu.memory_space<vmem_shared>> -> memref<640x128xf32, #tpu.memory_space<vmem_shared>>
      tpu.enqueue_dma source(%arg5 : memref<640x128xf32, #tpu.memory_space<hbm>>) target(%dma_start3A_43 : memref<640x128xf32, #tpu.memory_space<vmem_shared>>) target_semaphore(%run_scoped3A : memref<!tpu.dma_semaphore, #tpu.memory_space<semaphore_mem>>)
      %dma_wait3A_44 = arith.constant 0 : i32
      %dma_wait3A_45 = tpu.memref_slice %arg10[%mul3A_2, %dma_wait3A_44] : memref<10240x128xf32, #tpu.memory_space<vmem_shared>> -> memref<640x128xf32, #tpu.memory_space<vmem_shared>>
      tpu.wait_dma2 semaphore(%run_scoped3A : memref<!tpu.dma_semaphore, #tpu.memory_space<semaphore_mem>>) src(%arg5 : memref<640x128xf32, #tpu.memory_space<hbm>>) dst(%dma_wait3A_45 : memref<640x128xf32, #tpu.memory_space<vmem_shared>>)
      tpu.yield
    }) : () -> ()
    %dma_start3A = arith.constant 0 : i32
    %dma_start3A_3 = arith.constant 0 : i32
    %dma_start3A_4 = tpu.memref_slice %arg3[%add3A, %dma_start3A, %dma_start3A_3] : memref<32x88x128xi32, #tpu.memory_space<hbm>> -> memref<1x88x128xi32, #tpu.memory_space<hbm>>
    %dma_start3A_5 = tpu.memref_squeeze %dma_start3A_4 : memref<1x88x128xi32, #tpu.memory_space<hbm>> -> memref<88x128xi32, #tpu.memory_space<hbm>>
    %dma_start3A_6 = arith.constant 0 : i32
    %dma_start3A_7 = arith.constant 0 : i32
    %dma_start3A_8 = tpu.memref_slice %arg3[%add3A, %dma_start3A_6, %dma_start3A_7] : memref<32x88x128xi32, #tpu.memory_space<hbm>> -> memref<1x88x128xi32, #tpu.memory_space<hbm>>
    %dma_start3A_9 = tpu.memref_squeeze %dma_start3A_8 : memref<1x88x128xi32, #tpu.memory_space<hbm>> -> memref<88x128xi32, #tpu.memory_space<hbm>>
    tpu.enqueue_dma source(%dma_start3A_9 : memref<88x128xi32, #tpu.memory_space<hbm>>) target(%arg7 : memref<88x128xi32, #tpu.memory_space<vmem>>) target_semaphore(%arg11 : memref<!tpu.dma_semaphore, #tpu.memory_space<semaphore_mem>>)
    %dma_wait3A = arith.constant 0 : i32
    %dma_wait3A_10 = arith.constant 0 : i32
    %dma_wait3A_11 = tpu.memref_slice %arg3[%add3A, %dma_wait3A, %dma_wait3A_10] : memref<32x88x128xi32, #tpu.memory_space<hbm>> -> memref<1x88x128xi32, #tpu.memory_space<hbm>>
    %dma_wait3A_12 = tpu.memref_squeeze %dma_wait3A_11 : memref<1x88x128xi32, #tpu.memory_space<hbm>> -> memref<88x128xi32, #tpu.memory_space<hbm>>
    %dma_wait3A_13 = arith.constant 0 : i32
    %dma_wait3A_14 = arith.constant 0 : i32
    %dma_wait3A_15 = tpu.memref_slice %arg3[%add3A, %dma_wait3A_13, %dma_wait3A_14] : memref<32x88x128xi32, #tpu.memory_space<hbm>> -> memref<1x88x128xi32, #tpu.memory_space<hbm>>
    %dma_wait3A_16 = tpu.memref_squeeze %dma_wait3A_15 : memref<1x88x128xi32, #tpu.memory_space<hbm>> -> memref<88x128xi32, #tpu.memory_space<hbm>>
    tpu.wait_dma2 semaphore(%arg11 : memref<!tpu.dma_semaphore, #tpu.memory_space<semaphore_mem>>) src(%dma_wait3A_16 : memref<88x128xi32, #tpu.memory_space<hbm>>) dst(%arg7 : memref<88x128xi32, #tpu.memory_space<vmem>>)
    %dma_start3A_17 = arith.constant 0 : i32
    %dma_start3A_18 = arith.constant 0 : i32
    %dma_start3A_19 = tpu.memref_slice %arg4[%add3A, %dma_start3A_17, %dma_start3A_18] : memref<32x88x128xi32, #tpu.memory_space<hbm>> -> memref<1x88x128xi32, #tpu.memory_space<hbm>>
    %dma_start3A_20 = tpu.memref_squeeze %dma_start3A_19 : memref<1x88x128xi32, #tpu.memory_space<hbm>> -> memref<88x128xi32, #tpu.memory_space<hbm>>
    %dma_start3A_21 = arith.constant 0 : i32
    %dma_start3A_22 = arith.constant 0 : i32
    %dma_start3A_23 = tpu.memref_slice %arg4[%add3A, %dma_start3A_21, %dma_start3A_22] : memref<32x88x128xi32, #tpu.memory_space<hbm>> -> memref<1x88x128xi32, #tpu.memory_space<hbm>>
    %dma_start3A_24 = tpu.memref_squeeze %dma_start3A_23 : memref<1x88x128xi32, #tpu.memory_space<hbm>> -> memref<88x128xi32, #tpu.memory_space<hbm>>
    tpu.enqueue_dma source(%dma_start3A_24 : memref<88x128xi32, #tpu.memory_space<hbm>>) target(%arg8 : memref<88x128xi32, #tpu.memory_space<vmem>>) target_semaphore(%arg11 : memref<!tpu.dma_semaphore, #tpu.memory_space<semaphore_mem>>)
    %dma_wait3A_25 = arith.constant 0 : i32
    %dma_wait3A_26 = arith.constant 0 : i32
    %dma_wait3A_27 = tpu.memref_slice %arg4[%add3A, %dma_wait3A_25, %dma_wait3A_26] : memref<32x88x128xi32, #tpu.memory_space<hbm>> -> memref<1x88x128xi32, #tpu.memory_space<hbm>>
    %dma_wait3A_28 = tpu.memref_squeeze %dma_wait3A_27 : memref<1x88x128xi32, #tpu.memory_space<hbm>> -> memref<88x128xi32, #tpu.memory_space<hbm>>
    %dma_wait3A_29 = arith.constant 0 : i32
    %dma_wait3A_30 = arith.constant 0 : i32
    %dma_wait3A_31 = tpu.memref_slice %arg4[%add3A, %dma_wait3A_29, %dma_wait3A_30] : memref<32x88x128xi32, #tpu.memory_space<hbm>> -> memref<1x88x128xi32, #tpu.memory_space<hbm>>
    %dma_wait3A_32 = tpu.memref_squeeze %dma_wait3A_31 : memref<1x88x128xi32, #tpu.memory_space<hbm>> -> memref<88x128xi32, #tpu.memory_space<hbm>>
    tpu.wait_dma2 semaphore(%arg11 : memref<!tpu.dma_semaphore, #tpu.memory_space<semaphore_mem>>) src(%dma_wait3A_32 : memref<88x128xi32, #tpu.memory_space<hbm>>) dst(%arg8 : memref<88x128xi32, #tpu.memory_space<vmem>>)
    %barrier3A = arith.constant 0 : index
    tpu.barrier barrier_id(%barrier3A)
    %scan3A = arith.constant 0 : i32
    %scan3A_33 = arith.constant 80 : i32
    %scan3A_34 = arith.addi %scan3A, %scan3A_33 : i32
    %scan3A_35 = arith.constant 1 : i32
    scf.for %scan3A_42 = %scan3A to %scan3A_34 step %scan3A_35  : i32 {
      %mul3A_43 = arith.constant 1 : i32
      %mul3A_44 = arith.muli %scan3A_42, %mul3A_43 : i32
      %add3A_45 = arith.constant 0 : i32
      %add3A_46 = arith.addi %add3A_45, %mul3A_44 : i32
      %dma_start3A_47 = arith.constant 0 : i32
      %dma_start3A_48 = tpu.memref_slice %arg7[%add3A_46, %dma_start3A_47] : memref<88x128xi32, #tpu.memory_space<vmem>> -> memref<1x128xi32, #tpu.memory_space<vmem>>
      %dma_start3A_49 = tpu.memref_squeeze %dma_start3A_48 : memref<1x128xi32, #tpu.memory_space<vmem>> -> memref<128xi32, #tpu.memory_space<vmem>>
      %dma_start3A_50 = arith.constant 0 : i32
      %dma_start3A_51 = arith.constant 0 : i32
      %dma_start3A_52 = tpu.memref_slice %arg2[%dma_start3A_50, %dma_start3A_51] : memref<10000x128xf32, #tpu.memory_space<hbm>> -> memref<10000x128xf32, #tpu.memory_space<hbm>>
      tpu.enqueue_indirect_dma source(%dma_start3A_52 : memref<10000x128xf32, #tpu.memory_space<hbm>>) target(%arg9 : memref<128x128xf32, #tpu.memory_space<vmem>>) offsets(%dma_start3A_49 : memref<128xi32, #tpu.memory_space<vmem>>) semaphore(%arg11 : memref<!tpu.dma_semaphore, #tpu.memory_space<semaphore_mem>>)
      %dma_wait3A_53 = arith.constant 0 : i32
      %dma_wait3A_54 = tpu.memref_slice %arg7[%add3A_46, %dma_wait3A_53] : memref<88x128xi32, #tpu.memory_space<vmem>> -> memref<1x128xi32, #tpu.memory_space<vmem>>
      %dma_wait3A_55 = tpu.memref_squeeze %dma_wait3A_54 : memref<1x128xi32, #tpu.memory_space<vmem>> -> memref<128xi32, #tpu.memory_space<vmem>>
      %dma_wait3A_56 = arith.constant 0 : i32
      %dma_wait3A_57 = arith.constant 0 : i32
      %dma_wait3A_58 = tpu.memref_slice %arg2[%dma_wait3A_56, %dma_wait3A_57] : memref<10000x128xf32, #tpu.memory_space<hbm>> -> memref<10000x128xf32, #tpu.memory_space<hbm>>
      tpu.wait_indirect_dma semaphore(%arg11 : memref<!tpu.dma_semaphore, #tpu.memory_space<semaphore_mem>>) src(%dma_wait3A_58 : memref<10000x128xf32, #tpu.memory_space<hbm>>) dst(%arg9 : memref<128x128xf32, #tpu.memory_space<vmem>>)
      "tpu.region"() ({
        %run_scoped3A = tpu.sem_alloc : memref<!tpu.dma_semaphore, #tpu.memory_space<semaphore_mem>>
        %dma_start3A_59 = arith.constant 0 : i32
        %dma_start3A_60 = tpu.memref_slice %arg8[%add3A_46, %dma_start3A_59] : memref<88x128xi32, #tpu.memory_space<vmem>> -> memref<1x128xi32, #tpu.memory_space<vmem>>
        %dma_start3A_61 = tpu.memref_squeeze %dma_start3A_60 : memref<1x128xi32, #tpu.memory_space<vmem>> -> memref<128xi32, #tpu.memory_space<vmem>>
        %dma_start3A_62 = arith.constant 0 : i32
        %dma_start3A_63 = arith.constant 0 : i32
        %dma_start3A_64 = tpu.memref_slice %arg10[%dma_start3A_62, %dma_start3A_63] : memref<10240x128xf32, #tpu.memory_space<vmem_shared>> -> memref<10240x128xf32, #tpu.memory_space<vmem_shared>>
        tpu.enqueue_indirect_dma source(%arg9 : memref<128x128xf32, #tpu.memory_space<vmem>>) target(%dma_start3A_64 : memref<10240x128xf32, #tpu.memory_space<vmem_shared>>) offsets(%dma_start3A_61 : memref<128xi32, #tpu.memory_space<vmem>>) semaphore(%run_scoped3A : memref<!tpu.dma_semaphore, #tpu.memory_space<semaphore_mem>>) {add = true}
        %dma_wait3A_65 = arith.constant 0 : i32
        %dma_wait3A_66 = tpu.memref_slice %arg8[%add3A_46, %dma_wait3A_65] : memref<88x128xi32, #tpu.memory_space<vmem>> -> memref<1x128xi32, #tpu.memory_space<vmem>>
        %dma_wait3A_67 = tpu.memref_squeeze %dma_wait3A_66 : memref<1x128xi32, #tpu.memory_space<vmem>> -> memref<128xi32, #tpu.memory_space<vmem>>
        %dma_wait3A_68 = arith.constant 0 : i32
        %dma_wait3A_69 = arith.constant 0 : i32
        %dma_wait3A_70 = tpu.memref_slice %arg10[%dma_wait3A_68, %dma_wait3A_69] : memref<10240x128xf32, #tpu.memory_space<vmem_shared>> -> memref<10240x128xf32, #tpu.memory_space<vmem_shared>>
        tpu.wait_indirect_dma semaphore(%run_scoped3A : memref<!tpu.dma_semaphore, #tpu.memory_space<semaphore_mem>>) src(%arg9 : memref<128x128xf32, #tpu.memory_space<vmem>>) dst(%dma_wait3A_70 : memref<10240x128xf32, #tpu.memory_space<vmem_shared>>)
        tpu.yield
      }) : () -> ()
    }
    %scan3A_36 = arith.constant 80 : i32
    %barrier3A_37 = arith.constant 0 : index
    tpu.barrier barrier_id(%barrier3A_37)
    %mul3A_38 = arith.constant 632 : i32
    %mul3A_39 = arith.muli %arg1, %mul3A_38 : i32
    %mul3A_40 = arith.constant 632 : i32
    %mul3A_41 = arith.muli %arg1, %mul3A_40 : i32
    "tpu.region"() ({
      %run_scoped3A = tpu.sem_alloc : memref<!tpu.dma_semaphore, #tpu.memory_space<semaphore_mem>>
      %dma_start3A_42 = arith.constant 0 : i32
      %dma_start3A_43 = tpu.memref_slice %arg6[%arg0, %mul3A_41, %dma_start3A_42] : memref<2x10112x128xf32, #tpu.memory_space<hbm>> -> memref<1x632x128xf32, #tpu.memory_space<hbm>>
      %dma_start3A_44 = tpu.memref_squeeze %dma_start3A_43 : memref<1x632x128xf32, #tpu.memory_space<hbm>> -> memref<632x128xf32, #tpu.memory_space<hbm>>
      %dma_start3A_45 = arith.constant 0 : i32
      %dma_start3A_46 = tpu.memref_slice %arg10[%mul3A_39, %dma_start3A_45] : memref<10240x128xf32, #tpu.memory_space<vmem_shared>> -> memref<632x128xf32, #tpu.memory_space<vmem_shared>>
      tpu.enqueue_dma source(%dma_start3A_46 : memref<632x128xf32, #tpu.memory_space<vmem_shared>>) target(%dma_start3A_44 : memref<632x128xf32, #tpu.memory_space<hbm>>) target_semaphore(%run_scoped3A : memref<!tpu.dma_semaphore, #tpu.memory_space<semaphore_mem>>)
      %dma_wait3A_47 = arith.constant 0 : i32
      %dma_wait3A_48 = tpu.memref_slice %arg6[%arg0, %mul3A_41, %dma_wait3A_47] : memref<2x10112x128xf32, #tpu.memory_space<hbm>> -> memref<1x632x128xf32, #tpu.memory_space<hbm>>
      %dma_wait3A_49 = tpu.memref_squeeze %dma_wait3A_48 : memref<1x632x128xf32, #tpu.memory_space<hbm>> -> memref<632x128xf32, #tpu.memory_space<hbm>>
      %dma_wait3A_50 = arith.constant 0 : i32
      %dma_wait3A_51 = tpu.memref_slice %arg10[%mul3A_39, %dma_wait3A_50] : memref<10240x128xf32, #tpu.memory_space<vmem_shared>> -> memref<632x128xf32, #tpu.memory_space<vmem_shared>>
      tpu.wait_dma2 semaphore(%run_scoped3A : memref<!tpu.dma_semaphore, #tpu.memory_space<semaphore_mem>>) src(%dma_wait3A_51 : memref<632x128xf32, #tpu.memory_space<vmem_shared>>) dst(%dma_wait3A_49 : memref<632x128xf32, #tpu.memory_space<hbm>>)
      tpu.yield
    }) : () -> ()
    return
  }
}

module attributes {stable_mosaic.version = 14 : i64} {
  func.func @body(%arg0: i32, %arg1: memref<640x128xf32, #tpu.memory_space<vmem>>, %arg2: memref<640x128xf32, #tpu.memory_space<vmem>>, %arg3: memref<1024x16xf32, #tpu.memory_space<vmem>>) attributes {dimension_semantics = [#tpu.dimension_semantics<arbitrary>], iteration_bounds = array<i64: 10>, scalar_prefetch = 0 : i64, scratch_operands = 0 : i64, tpu.core_type = #tpu.core_type<tc>, window_params = [{pipeline_mode = #tpu.pipeline_mode<synchronous>, transform_indices = @transform_0, window_bounds = array<i64: 640, 128>}, {pipeline_mode = #tpu.pipeline_mode<synchronous>, transform_indices = @transform_1, window_bounds = array<i64: 640, 128>}, {transform_indices = @transform_2, window_bounds = array<i64: 1024, 16>}]} {
    %get3A = arith.constant 0 : index
    %get3A_0 = arith.constant 0 : index
    %get3A_1 = vector.load %arg1[%get3A, %get3A_0] : memref<640x128xf32, #tpu.memory_space<vmem>>, vector<640x128xf32>
    %get3A_2 = arith.constant 0 : index
    %get3A_3 = arith.constant 0 : index
    %get3A_4 = vector.load %arg2[%get3A_2, %get3A_3] : memref<640x128xf32, #tpu.memory_space<vmem>>, vector<640x128xf32>
    %add3A = arith.addf %get3A_1, %get3A_4 : vector<640x128xf32>
    %slice3A = vector.extract_strided_slice %add3A {offsets = [0, 0], sizes = [80, 128], strides = [1, 1]} : vector<640x128xf32> to vector<80x128xf32>
    %slice3A_5 = vector.extract_strided_slice %add3A {offsets = [80, 0], sizes = [80, 128], strides = [1, 1]} : vector<640x128xf32> to vector<80x128xf32>
    %add3A_6 = arith.addf %slice3A, %slice3A_5 : vector<80x128xf32>
    %slice3A_7 = vector.extract_strided_slice %add3A {offsets = [160, 0], sizes = [80, 128], strides = [1, 1]} : vector<640x128xf32> to vector<80x128xf32>
    %add3A_8 = arith.addf %add3A_6, %slice3A_7 : vector<80x128xf32>
    %slice3A_9 = vector.extract_strided_slice %add3A {offsets = [240, 0], sizes = [80, 128], strides = [1, 1]} : vector<640x128xf32> to vector<80x128xf32>
    %add3A_10 = arith.addf %add3A_8, %slice3A_9 : vector<80x128xf32>
    %slice3A_11 = vector.extract_strided_slice %add3A {offsets = [320, 0], sizes = [80, 128], strides = [1, 1]} : vector<640x128xf32> to vector<80x128xf32>
    %add3A_12 = arith.addf %add3A_10, %slice3A_11 : vector<80x128xf32>
    %slice3A_13 = vector.extract_strided_slice %add3A {offsets = [400, 0], sizes = [80, 128], strides = [1, 1]} : vector<640x128xf32> to vector<80x128xf32>
    %add3A_14 = arith.addf %add3A_12, %slice3A_13 : vector<80x128xf32>
    %slice3A_15 = vector.extract_strided_slice %add3A {offsets = [480, 0], sizes = [80, 128], strides = [1, 1]} : vector<640x128xf32> to vector<80x128xf32>
    %add3A_16 = arith.addf %add3A_14, %slice3A_15 : vector<80x128xf32>
    %slice3A_17 = vector.extract_strided_slice %add3A {offsets = [560, 0], sizes = [80, 128], strides = [1, 1]} : vector<640x128xf32> to vector<80x128xf32>
    %add3A_18 = arith.addf %add3A_16, %slice3A_17 : vector<80x128xf32>
    %iota3A = tpu.iota {dimensions = array<i32: 0>} : vector<1024x80xi32>
    %iota3A_19 = tpu.iota {dimensions = array<i32: 1>} : vector<1024x80xi32>
    %mul3A = arith.constant 8 : i32
    %mul3A_20 = arith.muli %mul3A, %arg0 : i32
    %jit3A = arith.constant 128 : i32
    %div3A = vector.broadcast %jit3A : i32 to vector<1024x80xi32>
    %div3A_21 = arith.divsi %iota3A, %div3A : vector<1024x80xi32>
    %sign3A = arith.constant 0 : i32
    %sign3A_22 = vector.broadcast %sign3A : i32 to vector<1024x80xi32>
    %sign3A_23 = arith.cmpi sgt, %iota3A, %sign3A_22 : vector<1024x80xi32>
    %sign3A_24 = arith.extui %sign3A_23 : vector<1024x80xi1> to vector<1024x80xi32>
    %sign3A_25 = arith.constant 0 : i32
    %sign3A_26 = vector.broadcast %sign3A_25 : i32 to vector<1024x80xi32>
    %sign3A_27 = arith.cmpi slt, %iota3A, %sign3A_26 : vector<1024x80xi32>
    %sign3A_28 = arith.extui %sign3A_27 : vector<1024x80xi1> to vector<1024x80xi32>
    %sign3A_29 = arith.subi %sign3A_24, %sign3A_28 : vector<1024x80xi32>
    %sign3A_30 = arith.constant 0 : i32
    %sign3A_31 = arith.cmpi sgt, %jit3A, %sign3A_30 : i32
    %sign3A_32 = arith.extui %sign3A_31 : i1 to i32
    %sign3A_33 = arith.constant 0 : i32
    %sign3A_34 = arith.cmpi slt, %jit3A, %sign3A_33 : i32
    %sign3A_35 = arith.extui %sign3A_34 : i1 to i32
    %sign3A_36 = arith.subi %sign3A_32, %sign3A_35 : i32
    %ne3A = vector.broadcast %sign3A_36 : i32 to vector<1024x80xi32>
    %ne3A_37 = arith.cmpi ne, %sign3A_29, %ne3A : vector<1024x80xi32>
    %rem3A = vector.broadcast %jit3A : i32 to vector<1024x80xi32>
    %rem3A_38 = arith.remsi %iota3A, %rem3A : vector<1024x80xi32>
    %ne3A_39 = arith.constant 0 : i32
    %ne3A_40 = vector.broadcast %ne3A_39 : i32 to vector<1024x80xi32>
    %ne3A_41 = arith.cmpi ne, %rem3A_38, %ne3A_40 : vector<1024x80xi32>
    %and3A = arith.andi %ne3A_37, %ne3A_41 : vector<1024x80xi1>
    %sub3A = arith.constant 1 : i32
    %sub3A_42 = vector.broadcast %sub3A : i32 to vector<1024x80xi32>
    %sub3A_43 = arith.subi %div3A_21, %sub3A_42 : vector<1024x80xi32>
    %select_n3A = arith.select %and3A, %sub3A_43, %div3A_21 : vector<1024x80xi1>, vector<1024x80xi32>
    %add3A_44 = vector.broadcast %mul3A_20 : i32 to vector<1024x80xi32>
    %add3A_45 = arith.addi %add3A_44, %select_n3A : vector<1024x80xi32>
    %eq3A = arith.cmpi eq, %iota3A_19, %add3A_45 : vector<1024x80xi32>
    %convert_element_type3A = arith.extui %eq3A : vector<1024x80xi1> to vector<1024x80xi32>
    %convert_element_type3A_46 = arith.sitofp %convert_element_type3A : vector<1024x80xi32> to vector<1024x80xf32>
    %dot_general3A = arith.constant dense<0.000000e+00> : vector<1024x128xf32>
    %dot_general3A_47 = tpu.matmul %convert_element_type3A_46, %add3A_18, %dot_general3A {dimension_numbers = #tpu.dot_dimension_numbers<[1], [0], [0], [1], [0, 0, 1, 1], [], []>, precision = #tpu.contract_precision<fp32>, transpose_lhs_hint = false} : vector<1024x80xf32>, vector<80x128xf32>, vector<1024x128xf32> -> vector<1024x128xf32>
    %iota3A_48 = tpu.iota {dimensions = array<i32: 0>} : vector<1024x128xi32>
    %iota3A_49 = tpu.iota {dimensions = array<i32: 1>} : vector<1024x128xi32>
    %and3A_50 = arith.constant 127 : i32
    %and3A_51 = vector.broadcast %and3A_50 : i32 to vector<1024x128xi32>
    %and3A_52 = arith.andi %iota3A_48, %and3A_51 : vector<1024x128xi32>
    %eq3A_53 = arith.cmpi eq, %iota3A_49, %and3A_52 : vector<1024x128xi32>
    %convert_element_type3A_54 = arith.extui %eq3A_53 : vector<1024x128xi1> to vector<1024x128xi32>
    %convert_element_type3A_55 = arith.sitofp %convert_element_type3A_54 : vector<1024x128xi32> to vector<1024x128xf32>
    %mul3A_56 = arith.mulf %dot_general3A_47, %convert_element_type3A_55 : vector<1024x128xf32>
    %reduce_sum3A = arith.constant dense<0.000000e+00> : vector<1024xf32>
    %reduce_sum3A_57 = vector.multi_reduction <add>, %mul3A_56, %reduce_sum3A [1] : vector<1024x128xf32> to vector<1024xf32>
    %broadcast_in_dim3A = vector.shape_cast %reduce_sum3A_57 : vector<1024xf32> to vector<1024x1xf32>
    %add3A_58 = arith.constant 1.000000e+00 : f32
    %add3A_59 = vector.broadcast %add3A_58 : f32 to vector<1024x1xf32>
    %add3A_60 = arith.addf %add3A_59, %broadcast_in_dim3A : vector<1024x1xf32>
    %broadcast_in_dim3A_61 = arith.constant 0.000000e+00 : f32
    %broadcast_in_dim3A_62 = vector.broadcast %broadcast_in_dim3A_61 : f32 to vector<1x16xf32>
    %add3A_63 = vector.broadcast %add3A_60 : vector<1024x1xf32> to vector<1024x16xf32>
    %add3A_64 = vector.broadcast %broadcast_in_dim3A_62 : vector<1x16xf32> to vector<1024x16xf32>
    %add3A_65 = arith.addf %add3A_63, %add3A_64 : vector<1024x16xf32>
    %swap3A = arith.constant 0 : index
    %swap3A_66 = arith.constant 0 : index
    %swap3A_67 = vector.load %arg3[%swap3A, %swap3A_66] : memref<1024x16xf32, #tpu.memory_space<vmem>>, vector<1024x16xf32>
    tpu.vector_store %arg3[%swap3A, %swap3A_66], %add3A_65 {strides = array<i32>} : memref<1024x16xf32, #tpu.memory_space<vmem>>, vector<1024x16xf32>,
    return
  }
  func.func @transform_0(%arg0: i32) -> (i32, i32) {
    %c0_i32 = arith.constant 0 : i32
    %c0_i32_0 = arith.constant 0 : i32
    %c0_i32_1 = arith.constant 0 : i32
    return %c0_i32, %c0_i32_0 : i32, i32
  }
  func.func @transform_1(%arg0: i32) -> (i32, i32) {
    %c0_i32 = arith.constant 0 : i32
    %c0_i32_0 = arith.constant 0 : i32
    %c0_i32_1 = arith.constant 0 : i32
    return %c0_i32, %c0_i32_0 : i32, i32
  }
  func.func @transform_2(%arg0: i32) -> (i32, i32) {
    %c0_i32 = arith.constant 0 : i32
    %c0_i32_0 = arith.constant 0 : i32
    return %arg0, %c0_i32 : i32, i32
  }
}

module attributes {stable_mosaic.version = 14 : i64} {
  func.func @body(%arg0: i32, %arg1: memref<1000x128xf32, #tpu.memory_space<vmem>>, %arg2: memref<128x128xf32, #tpu.memory_space<vmem>>, %arg3: memref<1000x16xf32, #tpu.memory_space<vmem>>, %arg4: memref<1000x128xf32, #tpu.memory_space<vmem>>) attributes {dimension_semantics = [#tpu.dimension_semantics<arbitrary>], iteration_bounds = array<i64: 10>, scalar_prefetch = 0 : i64, scratch_operands = 0 : i64, tpu.core_type = #tpu.core_type<tc>, window_params = [{transform_indices = @transform_0, window_bounds = array<i64: 1000, 128>}, {pipeline_mode = #tpu.pipeline_mode<synchronous>, transform_indices = @transform_1, window_bounds = array<i64: 128, 128>}, {transform_indices = @transform_2, window_bounds = array<i64: 1000, 16>}, {transform_indices = @transform_3, window_bounds = array<i64: 1000, 128>}]} {
    %get3A = arith.constant 0 : index
    %get3A_0 = arith.constant 0 : index
    %get3A_1 = vector.load %arg3[%get3A, %get3A_0] : memref<1000x16xf32, #tpu.memory_space<vmem>>, vector<1000x1xf32>
    %rsqrt3A = math.rsqrt %get3A_1 : vector<1000x1xf32>
    %get3A_2 = arith.constant 0 : index
    %get3A_3 = arith.constant 0 : index
    %get3A_4 = vector.load %arg1[%get3A_2, %get3A_3] : memref<1000x128xf32, #tpu.memory_space<vmem>>, vector<1000x128xf32>
    %get3A_5 = arith.constant 0 : index
    %get3A_6 = arith.constant 0 : index
    %get3A_7 = vector.load %arg2[%get3A_5, %get3A_6] : memref<128x128xf32, #tpu.memory_space<vmem>>, vector<128x128xf32>
    %dot_general3A = arith.constant dense<0.000000e+00> : vector<1000x128xf32>
    %dot_general3A_8 = tpu.matmul %get3A_4, %get3A_7, %dot_general3A {dimension_numbers = #tpu.dot_dimension_numbers<[1], [0], [0], [1], [0, 0, 1, 1], [], []>, transpose_lhs_hint = false} : vector<1000x128xf32>, vector<128x128xf32>, vector<1000x128xf32> -> vector<1000x128xf32>
    %mul3A = vector.broadcast %rsqrt3A : vector<1000x1xf32> to vector<1000x128xf32>
    %mul3A_9 = arith.mulf %dot_general3A_8, %mul3A : vector<1000x128xf32>
    %swap3A = arith.constant 0 : index
    %swap3A_10 = arith.constant 0 : index
    %swap3A_11 = vector.load %arg4[%swap3A, %swap3A_10] : memref<1000x128xf32, #tpu.memory_space<vmem>>, vector<1000x128xf32>
    tpu.vector_store %arg4[%swap3A, %swap3A_10], %mul3A_9 {strides = array<i32>} : memref<1000x128xf32, #tpu.memory_space<vmem>>, vector<1000x128xf32>,
    return
  }
  func.func @transform_0(%arg0: i32) -> (i32, i32) {
    %c0_i32 = arith.constant 0 : i32
    %c0_i32_0 = arith.constant 0 : i32
    return %arg0, %c0_i32 : i32, i32
  }
  func.func @transform_1(%arg0: i32) -> (i32, i32) {
    %c0_i32 = arith.constant 0 : i32
    %c0_i32_0 = arith.constant 0 : i32
    %c0_i32_1 = arith.constant 0 : i32
    return %c0_i32, %c0_i32_0 : i32, i32
  }
  func.func @transform_2(%arg0: i32) -> (i32, i32) {
    %c0_i32 = arith.constant 0 : i32
    %c0_i32_0 = arith.constant 0 : i32
    return %arg0, %c0_i32 : i32, i32
  }
  func.func @transform_3(%arg0: i32) -> (i32, i32) {
    %c0_i32 = arith.constant 0 : i32
    %c0_i32_0 = arith.constant 0 : i32
    return %arg0, %c0_i32 : i32, i32
  }
}

module attributes {stable_mosaic.version = 14 : i64} {
  func.func @body(%arg0: i32, %arg1: memref<1000x128xf32, #tpu.memory_space<vmem>>, %arg2: memref<1000x128xf32, #tpu.memory_space<vmem>>, %arg3: memref<1000x128xf32, #tpu.memory_space<vmem>>, %arg4: memref<1000x16xf32, #tpu.memory_space<vmem>>, %arg5: memref<128x128xf32, #tpu.memory_space<vmem>>, %arg6: memref<1x128xf32, #tpu.memory_space<vmem>>, %arg7: memref<1000x128xf32, #tpu.memory_space<vmem>>) attributes {dimension_semantics = [#tpu.dimension_semantics<arbitrary>], iteration_bounds = array<i64: 10>, scalar_prefetch = 0 : i64, scratch_operands = 0 : i64, tpu.core_type = #tpu.core_type<tc>, window_params = [{transform_indices = @transform_0, window_bounds = array<i64: 1000, 128>}, {transform_indices = @transform_1, window_bounds = array<i64: 1000, 128>}, {transform_indices = @transform_2, window_bounds = array<i64: 1000, 128>}, {transform_indices = @transform_3, window_bounds = array<i64: 1000, 16>}, {pipeline_mode = #tpu.pipeline_mode<synchronous>, transform_indices = @transform_4, window_bounds = array<i64: 128, 128>}, {pipeline_mode = #tpu.pipeline_mode<synchronous>, transform_indices = @transform_5, window_bounds = array<i64: 1, 128>}, {transform_indices = @transform_6, window_bounds = array<i64: 1000, 128>}]} {
    %get3A = arith.constant 0 : index
    %get3A_0 = arith.constant 0 : index
    %get3A_1 = vector.load %arg4[%get3A, %get3A_0] : memref<1000x16xf32, #tpu.memory_space<vmem>>, vector<1000x1xf32>
    %rsqrt3A = math.rsqrt %get3A_1 : vector<1000x1xf32>
    %get3A_2 = arith.constant 0 : index
    %get3A_3 = arith.constant 0 : index
    %get3A_4 = vector.load %arg1[%get3A_2, %get3A_3] : memref<1000x128xf32, #tpu.memory_space<vmem>>, vector<1000x128xf32>
    %get3A_5 = arith.constant 0 : index
    %get3A_6 = arith.constant 0 : index
    %get3A_7 = vector.load %arg2[%get3A_5, %get3A_6] : memref<1000x128xf32, #tpu.memory_space<vmem>>, vector<1000x128xf32>
    %add3A = arith.addf %get3A_4, %get3A_7 : vector<1000x128xf32>
    %get3A_8 = arith.constant 0 : index
    %get3A_9 = arith.constant 0 : index
    %get3A_10 = vector.load %arg3[%get3A_8, %get3A_9] : memref<1000x128xf32, #tpu.memory_space<vmem>>, vector<1000x128xf32>
    %add3A_11 = arith.addf %add3A, %get3A_10 : vector<1000x128xf32>
    %mul3A = vector.broadcast %rsqrt3A : vector<1000x1xf32> to vector<1000x128xf32>
    %mul3A_12 = arith.mulf %mul3A, %add3A_11 : vector<1000x128xf32>
    %get3A_13 = arith.constant 0 : index
    %get3A_14 = arith.constant 0 : index
    %get3A_15 = vector.load %arg6[%get3A_13, %get3A_14] : memref<1x128xf32, #tpu.memory_space<vmem>>, vector<1x128xf32>
    %add3A_16 = vector.broadcast %get3A_15 : vector<1x128xf32> to vector<1000x128xf32>
    %add3A_17 = arith.addf %mul3A_12, %add3A_16 : vector<1000x128xf32>
    %max3A = arith.constant 0.000000e+00 : f32
    %max3A_18 = vector.broadcast %max3A : f32 to vector<1000x128xf32>
    %max3A_19 = arith.maximumf %add3A_17, %max3A_18 : vector<1000x128xf32>
    %get3A_20 = arith.constant 0 : index
    %get3A_21 = arith.constant 0 : index
    %get3A_22 = vector.load %arg5[%get3A_20, %get3A_21] : memref<128x128xf32, #tpu.memory_space<vmem>>, vector<128x128xf32>
    %dot_general3A = arith.constant dense<0.000000e+00> : vector<1000x128xf32>
    %dot_general3A_23 = tpu.matmul %max3A_19, %get3A_22, %dot_general3A {dimension_numbers = #tpu.dot_dimension_numbers<[1], [0], [0], [1], [0, 0, 1, 1], [], []>, transpose_lhs_hint = false} : vector<1000x128xf32>, vector<128x128xf32>, vector<1000x128xf32> -> vector<1000x128xf32>
    %mul3A_24 = vector.broadcast %rsqrt3A : vector<1000x1xf32> to vector<1000x128xf32>
    %mul3A_25 = arith.mulf %dot_general3A_23, %mul3A_24 : vector<1000x128xf32>
    %swap3A = arith.constant 0 : index
    %swap3A_26 = arith.constant 0 : index
    %swap3A_27 = vector.load %arg7[%swap3A, %swap3A_26] : memref<1000x128xf32, #tpu.memory_space<vmem>>, vector<1000x128xf32>
    tpu.vector_store %arg7[%swap3A, %swap3A_26], %mul3A_25 {strides = array<i32>} : memref<1000x128xf32, #tpu.memory_space<vmem>>, vector<1000x128xf32>,
    return
  }
  func.func @transform_0(%arg0: i32) -> (i32, i32) {
    %c0_i32 = arith.constant 0 : i32
    %c0_i32_0 = arith.constant 0 : i32
    return %arg0, %c0_i32 : i32, i32
  }
  func.func @transform_1(%arg0: i32) -> (i32, i32) {
    %c0_i32 = arith.constant 0 : i32
    %c0_i32_0 = arith.constant 0 : i32
    return %arg0, %c0_i32 : i32, i32
  }
  func.func @transform_2(%arg0: i32) -> (i32, i32) {
    %c0_i32 = arith.constant 0 : i32
    %c0_i32_0 = arith.constant 0 : i32
    return %arg0, %c0_i32 : i32, i32
  }
  func.func @transform_3(%arg0: i32) -> (i32, i32) {
    %c0_i32 = arith.constant 0 : i32
    %c0_i32_0 = arith.constant 0 : i32
    return %arg0, %c0_i32 : i32, i32
  }
  func.func @transform_4(%arg0: i32) -> (i32, i32) {
    %c0_i32 = arith.constant 0 : i32
    %c0_i32_0 = arith.constant 0 : i32
    %c0_i32_1 = arith.constant 0 : i32
    return %c0_i32, %c0_i32_0 : i32, i32
  }
  func.func @transform_5(%arg0: i32) -> (i32, i32) {
    %c0_i32 = arith.constant 0 : i32
    %c0_i32_0 = arith.constant 0 : i32
    %c0_i32_1 = arith.constant 0 : i32
    return %c0_i32, %c0_i32_0 : i32, i32
  }
  func.func @transform_6(%arg0: i32) -> (i32, i32) {
    %c0_i32 = arith.constant 0 : i32
    %c0_i32_0 = arith.constant 0 : i32
    return %arg0, %c0_i32 : i32, i32
  }
}

module attributes {stable_mosaic.version = 14 : i64} {
  func.func @body(%arg0: i32, %arg1: memref<1000x128xf32, #tpu.memory_space<vmem>>, %arg2: memref<1000x128xf32, #tpu.memory_space<vmem>>, %arg3: memref<1000x128xf32, #tpu.memory_space<vmem>>, %arg4: memref<1000x16xf32, #tpu.memory_space<vmem>>, %arg5: memref<1x128xf32, #tpu.memory_space<vmem>>, %arg6: memref<1000x128xf32, #tpu.memory_space<vmem>>) attributes {dimension_semantics = [#tpu.dimension_semantics<arbitrary>], iteration_bounds = array<i64: 10>, scalar_prefetch = 0 : i64, scratch_operands = 0 : i64, tpu.core_type = #tpu.core_type<tc>, window_params = [{transform_indices = @transform_0, window_bounds = array<i64: 1000, 128>}, {transform_indices = @transform_1, window_bounds = array<i64: 1000, 128>}, {transform_indices = @transform_2, window_bounds = array<i64: 1000, 128>}, {transform_indices = @transform_3, window_bounds = array<i64: 1000, 16>}, {pipeline_mode = #tpu.pipeline_mode<synchronous>, transform_indices = @transform_4, window_bounds = array<i64: 1, 128>}, {transform_indices = @transform_5, window_bounds = array<i64: 1000, 128>}]} {
    %get3A = arith.constant 0 : index
    %get3A_0 = arith.constant 0 : index
    %get3A_1 = vector.load %arg4[%get3A, %get3A_0] : memref<1000x16xf32, #tpu.memory_space<vmem>>, vector<1000x1xf32>
    %rsqrt3A = math.rsqrt %get3A_1 : vector<1000x1xf32>
    %get3A_2 = arith.constant 0 : index
    %get3A_3 = arith.constant 0 : index
    %get3A_4 = vector.load %arg1[%get3A_2, %get3A_3] : memref<1000x128xf32, #tpu.memory_space<vmem>>, vector<1000x128xf32>
    %get3A_5 = arith.constant 0 : index
    %get3A_6 = arith.constant 0 : index
    %get3A_7 = vector.load %arg2[%get3A_5, %get3A_6] : memref<1000x128xf32, #tpu.memory_space<vmem>>, vector<1000x128xf32>
    %add3A = arith.addf %get3A_4, %get3A_7 : vector<1000x128xf32>
    %get3A_8 = arith.constant 0 : index
    %get3A_9 = arith.constant 0 : index
    %get3A_10 = vector.load %arg3[%get3A_8, %get3A_9] : memref<1000x128xf32, #tpu.memory_space<vmem>>, vector<1000x128xf32>
    %add3A_11 = arith.addf %add3A, %get3A_10 : vector<1000x128xf32>
    %mul3A = vector.broadcast %rsqrt3A : vector<1000x1xf32> to vector<1000x128xf32>
    %mul3A_12 = arith.mulf %mul3A, %add3A_11 : vector<1000x128xf32>
    %get3A_13 = arith.constant 0 : index
    %get3A_14 = arith.constant 0 : index
    %get3A_15 = vector.load %arg5[%get3A_13, %get3A_14] : memref<1x128xf32, #tpu.memory_space<vmem>>, vector<1x128xf32>
    %add3A_16 = vector.broadcast %get3A_15 : vector<1x128xf32> to vector<1000x128xf32>
    %add3A_17 = arith.addf %mul3A_12, %add3A_16 : vector<1000x128xf32>
    %max3A = arith.constant 0.000000e+00 : f32
    %max3A_18 = vector.broadcast %max3A : f32 to vector<1000x128xf32>
    %max3A_19 = arith.maximumf %add3A_17, %max3A_18 : vector<1000x128xf32>
    %reduce_max3A = arith.constant dense<0xFF800000> : vector<1000xf32>
    %reduce_max3A_20 = vector.multi_reduction <maximumf>, %max3A_19, %reduce_max3A [1] : vector<1000x128xf32> to vector<1000xf32>
    %broadcast_in_dim3A = vector.shape_cast %reduce_max3A_20 : vector<1000xf32> to vector<1000x1xf32>
    %sub3A = vector.broadcast %broadcast_in_dim3A : vector<1000x1xf32> to vector<1000x128xf32>
    %sub3A_21 = arith.subf %max3A_19, %sub3A : vector<1000x128xf32>
    %exp3A = math.exp %sub3A_21 : vector<1000x128xf32>
    %reduce_sum3A = arith.constant dense<0.000000e+00> : vector<1000xf32>
    %reduce_sum3A_22 = vector.multi_reduction <add>, %exp3A, %reduce_sum3A [1] : vector<1000x128xf32> to vector<1000xf32>
    %broadcast_in_dim3A_23 = vector.shape_cast %reduce_sum3A_22 : vector<1000xf32> to vector<1000x1xf32>
    %log3A = math.log %broadcast_in_dim3A_23 : vector<1000x1xf32>
    %sub3A_24 = vector.broadcast %log3A : vector<1000x1xf32> to vector<1000x128xf32>
    %sub3A_25 = arith.subf %sub3A_21, %sub3A_24 : vector<1000x128xf32>
    %swap3A = arith.constant 0 : index
    %swap3A_26 = arith.constant 0 : index
    %swap3A_27 = vector.load %arg6[%swap3A, %swap3A_26] : memref<1000x128xf32, #tpu.memory_space<vmem>>, vector<1000x128xf32>
    tpu.vector_store %arg6[%swap3A, %swap3A_26], %sub3A_25 {strides = array<i32>} : memref<1000x128xf32, #tpu.memory_space<vmem>>, vector<1000x128xf32>,
    return
  }
  func.func @transform_0(%arg0: i32) -> (i32, i32) {
    %c0_i32 = arith.constant 0 : i32
    %c0_i32_0 = arith.constant 0 : i32
    return %arg0, %c0_i32 : i32, i32
  }
  func.func @transform_1(%arg0: i32) -> (i32, i32) {
    %c0_i32 = arith.constant 0 : i32
    %c0_i32_0 = arith.constant 0 : i32
    return %arg0, %c0_i32 : i32, i32
  }
  func.func @transform_2(%arg0: i32) -> (i32, i32) {
    %c0_i32 = arith.constant 0 : i32
    %c0_i32_0 = arith.constant 0 : i32
    return %arg0, %c0_i32 : i32, i32
  }
  func.func @transform_3(%arg0: i32) -> (i32, i32) {
    %c0_i32 = arith.constant 0 : i32
    %c0_i32_0 = arith.constant 0 : i32
    return %arg0, %c0_i32 : i32, i32
  }
  func.func @transform_4(%arg0: i32) -> (i32, i32) {
    %c0_i32 = arith.constant 0 : i32
    %c0_i32_0 = arith.constant 0 : i32
    %c0_i32_1 = arith.constant 0 : i32
    return %c0_i32, %c0_i32_0 : i32, i32
  }
  func.func @transform_5(%arg0: i32) -> (i32, i32) {
    %c0_i32 = arith.constant 0 : i32
    %c0_i32_0 = arith.constant 0 : i32
    return %arg0, %c0_i32 : i32, i32
  }
}

</mosaic_0001>

<sc_bundles>
// kernel: kernel.12.cloned.1.call-start
scs
__scs_entry_jumppad:
0x0: {  	(pc) =	sbr.rel $0x88, $3  }
0x1: {  	(tag) =	ssettag $0x0;
	lr =	simm.s32 $0x1  }
0x2: {  	[smem:$0x3F9B] =	sst lr;
	_ =	strace $0xD0000000  }
0x3: {  	_ = 	snop  }
0x4: {  	_ = 	snop  }
0x5: {  	_ = 	snop  }
0x6: {  	_ = 	snop  }
0x7: {  	_ = 	snop  }
__scs_overlays_trampoline_lowered:
0x8: {  	[smem:$0x3FAA] =	sst s0  }
0x9: {  	[smem:$0x3FAB] =	sst s1  }
0xa: {  	[smem:$0x3FAC] =	sst s2  }
0xb: {  	[smem:$0x3FAD] =	sst s3  }
0xc: {  	[smem:$0x3FAE] =	sst s4  }
0xd: {  	[smem:$0x3FAF] =	sst s5  }
0xe: {  	[smem:$0x3FB0] =	sst s6  }
0xf: {  	[smem:$0x3FB1] =	sst s7  }
0x10: {  	[smem:$0x3FB2] =	sst s8  }
0x11: {  	[smem:$0x3FB3] =	sst s9;
	s0 =	simm.s32 @!p0 $0x0  }
0x12: {  	s1 =	sld [smem:$0x3F99];
	s0 =	simm.s32 @p0 $0x1  }
0x13: {  	[smem:$0x3FB4] =	sst s0;
	s0 =	simm.s32 @!p1 $0x0  }
0x14: {  	s2 =	sld [smem:$0x3F98];
	s0 =	simm.s32 @p1 $0x1  }
0x15: {  	[smem:$0x3FB5] =	sst s0;
	s0 =	simm.s32 @!p2 $0x0  }
0x16: {  	s3 =	sld [smem:$0x3FDB];
	s0 =	simm.s32 @p2 $0x1  }
0x17: {  	s4 =	simm.s32 $0x1BF5;
	[smem:$0x3FB7] =	sst s0  }
0x18: {  	s0 =	sld [smem:$0x3F9A];
	_ =	swait.ge [sflag:s4], $0x0  }
0x19: {  	s7 =	sld [smem:$0x3F9B]  }
0x1a: {  	s8 =	sadd.s32 $0xFFFFE003, lr  }
0x1b: {  	s9 =	sadd.s32 $0xFFFFFEF7, lr;
	s5 =	simm.s32 $0xFFFFFFFF;
	p2 =	slt.u32 s8, $0xFFFFF086  }
0x1c: {  	p1 =	slt.u32 s9, $0xF7A;
	s5 =	simm.s32 @!p2 $0x0  }
0x1d: {  	s5 =	simm.s32 @p1 $0x1;
	p0 =	seq.s32 s7, s2  }
0x1e: {  	s7 =	smul.u32 @!p0 $0xF7A, s2;
	p2 =	seq.s32 @!p0 s5, $0x0  }
0x1f: {  	s9 =	smul.u32 $0xF7A, s1;
	s8 =	simm.s32 @!p0 $0x1BF5;
	p2 =	por !p2, p0  }
0x20: {  	[sflag:s8] =	ssyncset.s32 @!p0 $0xFFFFF086;
	s6 =	sadd.s32 @!p0 s3, s7;
	s7 =	simm.s32 @!p0 $0x108  }
0x21: {  	s3 =	sadd.s32 s3, s9;
	s6 =	sadd.s32 @!p0 $0x88, s6;
	s7 =	simm.s32 @p2 $0x1082  }
0x22: {  	[simem:s7], [sflag:s8] =	dma.local @!p0 [hbm:s6], $0xF7A  }
0x23: {  	s9 =	sor.u32 $0xD0000000, s2;
	s6 =	simm.s32 $0x108;
	_ =	swait.ge @!p0 [sflag:s8], $0x0  }
0x24: {  	s3 =	sadd.s32 $0x88, s3;
	s6 =	simm.s32 @!p1 $0x1082;
	[sflag:s4] =	ssyncset.s32 $0xFFFFF086  }
0x25: {  	[simem:s6], [sflag:s4] =	dma.local [hbm:s3], $0xF7A  }
0x26: {  	[smem:$0x3F9B] =	sst s1;
	(tag) =	ssettag s2;
	_ =	strace s9  }
0x27: {  	s1 =	sld [smem:$0x3FAB]  }
0x28: {  	s2 =	sld [smem:$0x3FAC]  }
0x29: {  	s4 =	sld [smem:$0x3FAE]  }
0x2a: {  	p0 =	seq.s32 s5, $0x0;
	s5 =	sld [smem:$0x3FAF]  }
0x2b: {  	s6 =	sld [smem:$0x3FB0]  }
0x2c: {  	s7 =	sld [smem:$0x3FB1]  }
0x2d: {  	s3 =	simm.s32 $0x108;
	s8 =	sld [smem:$0x3FB2]  }
0x2e: {  	s3 =	simm.s32 @!p0 $0x1082;
	s9 =	sld [smem:$0x3FB3]  }
0x2f: {  	lr =	sadd.s32 s0, s3;
	s0 =	sld [smem:$0x3FAA]  }
0x30: {  	s3 =	sld [smem:$0x3FAD]  }
0x31: {  	[smem:$0x3FB6] =	sst s10  }
0x32: {  	s10 =	sld [smem:$0x3FB4];
	_ =	sdelay $0x3  }
0x33: {  	p0 =	seq.s32 s10, $0x1;
	s10 =	sld [smem:$0x3FB6];
	_ =	sdelay $0x3  }
0x34: {  	[smem:$0x3FB6] =	sst s10  }
0x35: {  	s10 =	sld [smem:$0x3FB5];
	_ =	sdelay $0x3  }
0x36: {  	p1 =	seq.s32 s10, $0x1;
	s10 =	sld [smem:$0x3FB6];
	_ =	sdelay $0x3  }
0x37: {  	[smem:$0x3FB6] =	sst s10  }
0x38: {  	s10 =	sld [smem:$0x3FB7]  }
0x39: {  	_ = 	snop;
	(pc) =	sbr.ind lr, $3  }
0x3a: {  	_ = 	snop  }
0x3b: {  	_ = 	snop  }
0x3c: {  	p2 =	seq.s32 s10, $0x1;
	s10 =	sld [smem:$0x3FB6]  }
0x3d: {  	_ =	shalt  }
0x3e: {  	_ =	shalt  }
0x3f: {  	_ =	shalt  }
0x40: {  	_ =	shalt  }
0x41: {  	_ =	shalt  }
0x42: {  	_ =	shalt  }
0x43: {  	_ =	shalt  }
0x44: {  	_ =	shalt  }
0x45: {  	_ =	shalt  }
0x46: {  	_ =	shalt  }
0x47: {  	_ =	shalt  }
0x48: {  	_ =	shalt  }
0x49: {  	_ =	shalt  }
0x4a: {  	_ =	shalt  }
0x4b: {  	_ =	shalt  }
0x4c: {  	_ =	shalt  }
0x4d: {  	_ =	shalt  }
0x4e: {  	_ =	shalt  }
0x4f: {  	_ =	shalt  }
0x50: {  	_ =	shalt  }
0x51: {  	_ =	shalt  }
0x52: {  	_ =	shalt  }
0x53: {  	_ =	shalt  }
0x54: {  	_ =	shalt  }
0x55: {  	_ =	shalt  }
0x56: {  	_ =	shalt  }
0x57: {  	_ =	shalt  }
0x58: {  	_ =	shalt  }
0x59: {  	_ =	shalt  }
0x5a: {  	_ =	shalt  }
0x5b: {  	_ =	shalt  }
0x5c: {  	_ =	shalt  }
0x5d: {  	_ =	shalt  }
0x5e: {  	_ =	shalt  }
0x5f: {  	_ =	shalt  }
0x60: {  	_ =	shalt  }
0x61: {  	_ =	shalt  }
0x62: {  	_ =	shalt  }
0x63: {  	_ =	shalt  }
0x64: {  	_ =	shalt  }
0x65: {  	_ =	shalt  }
0x66: {  	_ =	shalt  }
0x67: {  	_ =	shalt  }
0x68: {  	_ =	shalt  }
0x69: {  	_ =	shalt  }
0x6a: {  	_ =	shalt  }
0x6b: {  	_ =	shalt  }
0x6c: {  	_ =	shalt  }
0x6d: {  	_ =	shalt  }
0x6e: {  	_ =	shalt  }
0x6f: {  	_ =	shalt  }
0x70: {  	_ =	shalt  }
0x71: {  	_ =	shalt  }
0x72: {  	_ =	shalt  }
0x73: {  	_ =	shalt  }
0x74: {  	_ =	shalt  }
0x75: {  	_ =	shalt  }
0x76: {  	_ =	shalt  }
0x77: {  	_ =	shalt  }
0x78: {  	_ =	shalt  }
0x79: {  	_ =	shalt  }
0x7a: {  	_ =	shalt  }
0x7b: {  	_ =	shalt  }
0x7c: {  	_ =	shalt  }
0x7d: {  	_ =	shalt  }
0x7e: {  	_ =	shalt  }
0x7f: {  	_ =	shalt  }
0x80: {  	_ =	shalt  }
0x81: {  	_ =	shalt  }
0x82: {  	_ =	shalt  }
0x83: {  	_ =	shalt  }
0x84: {  	_ =	shalt  }
0x85: {  	_ =	shalt  }
0x86: {  	_ =	shalt  }
0x87: {  	_ =	shalt  }
.Lfunc_end0:
.L_simem_size_0:
called_computation.1_lowered:
.L_overlay_start_0:
0x88: {  	s2 =	sld [smem:$0x3FD9]  }
0x89: {  	s3 =	sld [smem:$0x3FFE];
	_ =	sdelay $0x1  }
0x8a: {  	s1 =	srdreg.scid  }
0x8b: {  	s0 =	sand.u32 $0x1, s1  }
0x8c: {  	s17 =	sshll.u32 s0, $0xA;
	s2 =	sadd.s32 s3, s2  }
0x8d: {  	s2 =	sadd.s32 s2, s17  }
0x8e: {  	[smem:$0x3FC2] =	sst s2  }
0x8f: {  	_ = 	snop  }
0x90: {  	s2 =	sld [smem:$0x3FD0];
	(tm) =	ssettm $0x1  }
0x91: {  	s18 =	sld [smem:$0x3FFB];
	_ =	sdelay $0x3  }
0x92: {  	_ =	strace s18  }
0x93: {  	s3 =	sld [smem:$0x3FFC];
	_ =	sdelay $0x3  }
0x94: {  	_ =	strace s3  }
0x95: {  	s3 =	sld [smem:$0x3FFD];
	_ =	sdelay $0x3  }
0x96: {  	_ =	strace s3  }
0x97: {  	_ =	strace $0x8FFFFFFF  }
0x98: {  	s19 =	sld [smem:$0x3FDB];
	_ =	sdelay $0x1  }
0x99: {  	s4 =	simm.s32 $_scs_section_size  }
0x9a: {  	s5 =	simm.s32 $_size__tile_overlayer_lowered;
	s6 =	simm.s32 $_tile_overlayer_lowered  }
0x9b: {  	s22 =	simm.s32 $0x1BFF;
	s21 =	sshll.u32 s6, $0x1;
	s3 =	sadd.s32 s4, s19  }
0x9c: {  	s7 =	simm.s32 $0x0;
	s20 =	sshll.u32 s5, $0x1;
	s5 =	sadd.s32 s21, s3  }
0x9d: {  	[timem:s7], [sflag:s22] =	dma.local [hbm:s5], s20  }
0x9e: {  	_ =	swait.ge [sflag:s22], s20  }
0x9f: {  	s4 =	ssub.s32 $0x0, s20;
	[sflag:s22] =	ssyncset.done $0x0  }
0xa0: {  	[sflag:s22] =	ssyncadd.s32 s4;
	_ =	sdelay $0x1  }
0xa1: {  	s23 =	simm.s32 $0x1B8B  }
0xa2: {  	_ =	swait.ge [sflag:s23], $0x1  }
0xa3: {  	[sflag:s23] =	ssyncset.done $0x0  }
0xa4: {  	s25 =	simm.s32 $0x1B8E;
	s24 =	sld [smem:$0x3FFE];
	[sflag:s23] =	ssyncadd.s32 $0xFFFFFFFF  }
0xa5: {  	s26 =	simm.s32 $execute0_lowered;
	[smem:$0x3FD2] =	sst s25  }
0xa6: {  	s5 =	sshll.u32 s26, $0x1;
	_ =	strace $0x80000049;
	[dreg:$0x1] =	wrdreg $0xFFFFFFFF  }
0xa7: {  	s28 =	simm.s32 $_size_execute0_lowered;
	s3 =	sadd.s32 s3, s5;
	[dreg:$0x0] =	wrdreg $0x0  }
0xa8: {  	s5 =	sshll.u32 s28, $0x1;
	[dreg:$0x2] =	wrdreg s3  }
0xa9: {  	[dreg:$0x3] =	wrdreg s5  }
0xaa: {  	[dreg:$0x4] =	wrdreg $0xC0  }
0xab: {  	_ =	task [dreg:s7], $0x5FFFF  }
0xac: {  	[dreg:$0x1] =	wrdreg $0xFFFFFFFF  }
0xad: {  	[dreg:$0x0] =	wrdreg $0x60  }
0xae: {  	[dreg:$0x2] =	wrdreg s2  }
0xaf: {  	[dreg:$0x3] =	wrdreg s24  }
0xb0: {  	[dreg:$0x4] =	wrdreg $0x98000  }
0xb1: {  	[dreg:$0x5] =	wrdreg $0x9  }
0xb2: {  	_ =	task.clear_ibuf [dreg:s7], $0x6FFFF;
	_ =	strace $0x90000049  }
0xb3: {  	s29 =	simm.s32 $0x9;
	_ =	strace $0x8000004B  }
0xb4: {  	_ =	swait.ge [sflag:s29], $0x1  }
0xb5: {  	[sflag:s29] =	ssyncadd.s32 $0xFFFFFFFF  }
0xb6: {  	_ =	strace $0x9000004B  }
0xb7: {  	_ =	sfence  }
0xb8: {  	s30 =	sld [smem:$0x0];
	_ =	sdelay $0x2  }
0xb9: {  	s31 =	sshll.u32 s1, $0xD;
	s1 =	sshrl.u32 s1, $0x2  }
0xba: {  	s3 =	sand.u32 $0x4000, s31;
	s1 =	sadd.s32 s1, s30  }
0xbb: {  	s0 =	sor.u32 s3, s0;
	s1 =	sshll.u32 s1, $0x11  }
0xbc: {  	s0 =	sor.u32 s1, s0  }
0xbd: {  	s0 =	sadd.s32 $0x8F2B, s0  }
0xbe: {  	[sflag:s0] =	ssyncadd.remote.s32 $0x1  }
0xbf: {  	_ =	sfence.sel $0xFFFF  }
0xc0: {  	[dreg:$0x0] =	wrdreg $0xFFFFFFFF;
	(pc) =	sbr.abs _section_cstart, $3  }
0xc1: {  	[dreg:$0x1] =	wrdreg $0xFFFFFFFF  }
0xc2: {  	_ =	task.clear_ibuf [dreg:s7], $0x2FFFF;
	_ =	strace $0x9FFFFFFF  }
0xc3: {  	(tm) =	ssettm $0x7FFFFFFF  }
tec
execute0_lowered:
.L_overlay_start_1:
0x0: {  	(tag) =	ssettag $0x1  }
0x1: {  	s1 =	rddreg [dreg:$0x0]  }
0x2: {  	s6 =	rddreg [dreg:$0x1]  }
0x3: {  	s3 =	rddreg [dreg:$0x2];
	s2 =	srdreg.scid  }
0x4: {  	s0 =	rddreg [dreg:$0x3];
	s4 =	simm.s32 $0x0;
	s14 =	simm.s32 $0x2C00  }
0x5: {  	s15 =	simm.s32 $0x80;
	s16 =	simm.s32 $0x5800;
	s7 =	sand.u32 $0x1, s2  }
0x6: {  	s18 =	simm.s32 $0x0;
	s2 =	stileid.u32;
	s8 =	smul.u32 $0x13C000, s7  }
0x7: {  	[smem:$0x7FF] =	sst s4;
	s5 =	sshll.u32 s7, $0x4;
	s9 =	smul.u32 $0x13C00, s2  }
0x8: {  	_ =	strace $0x8000004A;
	s10 =	smul.u32 $0x50000, s2;
	s28 =	ssub.s32 $0x2, s7  }
0x9: {  	s30 =	smul.u32 $0x4F000, s2;
	s31 =	sshll.u32 s2, $0x6;
	s5 =	sor.u32 s2, s5  }
0xa: {  	s7 =	sshrl.u32 s28, $0x1;
	s5 =	smul.u32 $0x580, s5;
	s8 =	sadd.s32 s9, s8  }
0xb: {  	s29 =	sshrl.u32 s10, $0x2;
	s12 =	ssub.s32 s28, s7;
	s10 =	sshrl.u32 s30, $0x2  }
0xc: {  	s8 =	sshrl.u32 s8, $0x3;
	s13 =	sadd.s32 s29, s3;
	s17 =	sadd.s32 s10, s3  }
0xd: {  	s10 =	smax.u32 s12, $0x1;
	s12 =	simm.s32 $0x2;
	s26 =	sadd.s32 s5, s6  }
0xe: {  	s5 =	sadd.s32 $0xE400, s6;
	s11 =	sadd.s32 s8, s6;
	s6 =	sor.u32 $0x1C02, s31  }
0xf: {  	s17 =	sshrl.u32 s17, $0x3;
	s7 =	sadd.s32 $0x10C00, s26;
	s8 =	sadd.s32 $0x3400, s26  }
0x10: {  	s9 =	sadd.s32 $0x42E00, s11;
	s11 =	sshrl.u32 s13, $0x3;
	s13 =	simm.s32 $0x1  }
.LBB2_1:
0x11: {  	[spmem:s11], [sflag:s6] =	dma.local [hbm:s5], $0x2800  }
0x12: {  	_ =	swait.ge [sflag:s12], $0x2800  }
0x13: {  	[sflag:s12] =	ssyncset.done $0x0  }
0x14: {  	[sflag:s12] =	ssyncadd.s32 $0xFFFFD800  }
0x15: {  	[tilespmem:s4], [sflag:$0x1] =	stream.linear.gather [hbm4b:s7+s4], $0x2C00, $0x38;
	[tilespmem:$0x1D800] =	vst v63  }
0x16: {  	_ =	swait.ge [sflag:s13], $0x2C00  }
0x17: {  	[sflag:s13] =	ssyncset.done $0x0  }
0x18: {  	[sflag:s13] =	ssyncadd.s32 $0xFFFFD400  }
0x19: {  	[tilespmem:s14], [sflag:$0x1] =	stream.linear.gather [hbm4b:s8+s4], $0x2C00, $0x38;
	[tilespmem:$0x1D800] =	vst v63  }
0x1a: {  	_ =	swait.ge [sflag:s13], $0x2C00  }
0x1b: {  	[sflag:s13] =	ssyncset.done $0x0  }
0x1c: {  	[sflag:s13] =	ssyncadd.s32 $0xFFFFD400  }
0x1d: {  	s19 =	simm.s32 $0x0;
	[bflag:$0x0] =	sbarrier.arrive $0xFFFF  }
0x1e: {  	[tilespmem:s16], [sflag:$0x1] =	stream.indirect.gather [hbm4b:s1+s15], $0x80, s19, s15, $0xb8;
	[tilespmem:$0x1D800] =	vst v63  }
0x1f: {  	_ =	swait.ge [sflag:s13], $0x4000  }
0x20: {  	[sflag:s13] =	ssyncset.done $0x0  }
0x21: {  	s31 =	simm.s32 $0x2C00;
	[sflag:s13] =	ssyncadd.s32 $0xFFFFC000  }
0x22: {  	[spmem:s3] =	stream.indirect.scatter.add.f32 [tilespmem:s16], [sflag:$0x2], $0x80, s31, s15, $0xb8;
	[tilespmem:$0x1D800] =	vst v63  }
0x23: {  	_ =	swait.ge [sflag:s12], $0x4000  }
0x24: {  	s20 =	simm.s32 $0x400;
	s19 =	simm.s32 $0x200;
	[sflag:s12] =	ssyncset.done $0x0  }
.LBB2_2:
0x25: {  	s21 =	sshra.s32 s19, $0x2  }
0x26: {  	[sflag:s12] =	ssyncadd.s32 $0xFFFFC000;
	s19 =	smov.u32 s20;
	s22 =	sadd.s32 $0x200, s20  }
0x27: {  	[tilespmem:s16], [sflag:$0x1] =	stream.indirect.gather [hbm4b:s1+s15], $0x80, s21, s15, $0xb8;
	[tilespmem:$0x1D800] =	vst v63  }
0x28: {  	p0 =	sne.s32 s20, $0x9E00;
	_ =	swait.ge [sflag:s13], $0x4000  }
.Ltmp0:
0x29: {  	[sflag:s13] =	ssyncset.done $0x0;
	(pc) =	sbr.rel @p0 .LBB2_2-.Ltmp0, $4  }
0x2a: {  	s20 =	sadd.s32 $0x2C00, s21;
	[sflag:s13] =	ssyncadd.s32 $0xFFFFC000  }
0x2b: {  	[spmem:s3] =	stream.indirect.scatter.add.f32 [tilespmem:s16], [sflag:$0x2], $0x80, s20, s15, $0xb8;
	[tilespmem:$0x1D800] =	vst v63  }
0x2c: {  	_ =	swait.ge [sflag:s12], $0x4000  }
0x2d: {  	s20 =	smov.u32 s22;
	[sflag:s12] =	ssyncset.done $0x0  }
0x2e: {  	s19 =	sshra.s32 s19, $0x2;
	[sflag:s12] =	ssyncadd.s32 $0xFFFFC000  }
0x2f: {  	[tilespmem:s16], [sflag:$0x1] =	stream.indirect.gather [hbm4b:s1+s15], $0x80, s19, s15, $0xb8;
	[tilespmem:$0x1D800] =	vst v63  }
0x30: {  	_ =	swait.ge [sflag:s13], $0x4000  }
0x31: {  	[sflag:s13] =	ssyncset.done $0x0  }
0x32: {  	s19 =	sadd.s32 $0x2C00, s19;
	[sflag:s13] =	ssyncadd.s32 $0xFFFFC000  }
0x33: {  	[spmem:s3] =	stream.indirect.scatter.add.f32 [tilespmem:s16], [sflag:$0x2], $0x80, s19, s15, $0xb8;
	[tilespmem:$0x1D800] =	vst v63  }
0x34: {  	_ =	swait.ge [sflag:s12], $0x4000  }
0x35: {  	s18 =	sadd.s32 $0x1, s18;
	[sflag:s12] =	ssyncset.done $0x0  }
0x36: {  	p0 =	sne.s32 s18, s10;
	[sflag:s12] =	ssyncadd.s32 $0xFFFFC000  }
.Ltmp1:
0x37: {  	[bflag:$0x0] =	sbarrier.arrive $0xFFFF;
	(pc) =	sbr.rel @p0 .LBB2_1-.Ltmp1, $4  }
0x38: {  	[hbm:s9], [sflag:s6] =	dma.local [spmem:s17], $0x2780  }
0x39: {  	_ =	swait.ge [sflag:s12], $0x2780  }
0x3a: {  	[sflag:s12] =	ssyncset.done $0x0  }
0x3b: {  	[sflag:s12] =	ssyncadd.s32 $0xFFFFD880  }
0x3c: {  	_ =	sfence.sel $0x180000  }
0x3d: {  	[bflag:$0x0] =	sbarrier.arrive $0xFFFF  }
0x3e: {  	p0 =	sne.s32 s2, $0x0;
	_ =	strace $0x9000004A  }
0x3f: {  	s0 =	sadd.s32 @!p0 $0x100000, s0;
	[bflag:$0x2] =	sbarrier.arrive $0xFFFF  }
0x40: {  	[sflag:s0] =	ssyncadd.tile.s32 @!p0 $0x1;
	_ =	shalt  }
.Lfunc_end2:
_tile_overlayer_lowered:
.L_overlay_start_2:
0x41: {  	(tag) =	ssettag $0x2  }
0x42: {  	s0 =	rddreg [dreg:$0x0];
	s2 =	stileid.u32  }
0x43: {  	s1 =	rddreg [dreg:$0x1];
	p0 =	sne.s32 s2, $0x0  }
0x44: {  	s3 =	rddreg [dreg:$0x2];
	[bflag:$0x3] =	sbarrier.arrive $0xFFFF;
	s2 =	simm.s32 @!p0 $0x1C02  }
0x45: {  	[timem:s3], [sflag:s2] =	dma.local @!p0 [hbm:s0], s1  }
0x46: {  	s0 =	simm.s32 @!p0 $0x2  }
0x47: {  	_ =	swait.ge @!p0 [sflag:s0], s1  }
0x48: {  	s1 =	ssub.s32 @!p0 $0x0, s1;
	[sflag:s0] =	ssyncset.done @!p0 $0x0  }
0x49: {  	[sflag:s0] =	ssyncadd.s32 @!p0 s1  }
0x4a: {  	[bflag:$0x3] =	sbarrier.arrive $0xFFFF  }
0x4b: {  	_ =	shalt  }

// kernel: kernel.15.cloned.1.call-start
scs
__scs_entry_jumppad:
0x0: {  	(pc) =	sbr.rel $0x88, $3  }
0x1: {  	(tag) =	ssettag $0x0;
	lr =	simm.s32 $0x1  }
0x2: {  	[smem:$0x3F9B] =	sst lr;
	_ =	strace $0xD0000000  }
0x3: {  	_ = 	snop  }
0x4: {  	_ = 	snop  }
0x5: {  	_ = 	snop  }
0x6: {  	_ = 	snop  }
0x7: {  	_ = 	snop  }
__scs_overlays_trampoline_lowered:
0x8: {  	[smem:$0x3FAA] =	sst s0  }
0x9: {  	[smem:$0x3FAB] =	sst s1  }
0xa: {  	[smem:$0x3FAC] =	sst s2  }
0xb: {  	[smem:$0x3FAD] =	sst s3  }
0xc: {  	[smem:$0x3FAE] =	sst s4  }
0xd: {  	[smem:$0x3FAF] =	sst s5  }
0xe: {  	[smem:$0x3FB0] =	sst s6  }
0xf: {  	[smem:$0x3FB1] =	sst s7  }
0x10: {  	[smem:$0x3FB2] =	sst s8  }
0x11: {  	[smem:$0x3FB3] =	sst s9;
	s0 =	simm.s32 @!p0 $0x0  }
0x12: {  	s1 =	sld [smem:$0x3F99];
	s0 =	simm.s32 @p0 $0x1  }
0x13: {  	[smem:$0x3FB4] =	sst s0;
	s0 =	simm.s32 @!p1 $0x0  }
0x14: {  	s2 =	sld [smem:$0x3F98];
	s0 =	simm.s32 @p1 $0x1  }
0x15: {  	[smem:$0x3FB5] =	sst s0;
	s0 =	simm.s32 @!p2 $0x0  }
0x16: {  	s3 =	sld [smem:$0x3FDB];
	s0 =	simm.s32 @p2 $0x1  }
0x17: {  	s4 =	simm.s32 $0x1BF5;
	[smem:$0x3FB7] =	sst s0  }
0x18: {  	s0 =	sld [smem:$0x3F9A];
	_ =	swait.ge [sflag:s4], $0x0  }
0x19: {  	s7 =	sld [smem:$0x3F9B]  }
0x1a: {  	s8 =	sadd.s32 $0xFFFFE003, lr  }
0x1b: {  	s9 =	sadd.s32 $0xFFFFFEF7, lr;
	s5 =	simm.s32 $0xFFFFFFFF;
	p2 =	slt.u32 s8, $0xFFFFF086  }
0x1c: {  	p1 =	slt.u32 s9, $0xF7A;
	s5 =	simm.s32 @!p2 $0x0  }
0x1d: {  	s5 =	simm.s32 @p1 $0x1;
	p0 =	seq.s32 s7, s2  }
0x1e: {  	s7 =	smul.u32 @!p0 $0xF7A, s2;
	p2 =	seq.s32 @!p0 s5, $0x0  }
0x1f: {  	s9 =	smul.u32 $0xF7A, s1;
	s8 =	simm.s32 @!p0 $0x1BF5;
	p2 =	por !p2, p0  }
0x20: {  	[sflag:s8] =	ssyncset.s32 @!p0 $0xFFFFF086;
	s6 =	sadd.s32 @!p0 s3, s7;
	s7 =	simm.s32 @!p0 $0x108  }
0x21: {  	s3 =	sadd.s32 s3, s9;
	s6 =	sadd.s32 @!p0 $0x88, s6;
	s7 =	simm.s32 @p2 $0x1082  }
0x22: {  	[simem:s7], [sflag:s8] =	dma.local @!p0 [hbm:s6], $0xF7A  }
0x23: {  	s9 =	sor.u32 $0xD0000000, s2;
	s6 =	simm.s32 $0x108;
	_ =	swait.ge @!p0 [sflag:s8], $0x0  }
0x24: {  	s3 =	sadd.s32 $0x88, s3;
	s6 =	simm.s32 @!p1 $0x1082;
	[sflag:s4] =	ssyncset.s32 $0xFFFFF086  }
0x25: {  	[simem:s6], [sflag:s4] =	dma.local [hbm:s3], $0xF7A  }
0x26: {  	[smem:$0x3F9B] =	sst s1;
	(tag) =	ssettag s2;
	_ =	strace s9  }
0x27: {  	s1 =	sld [smem:$0x3FAB]  }
0x28: {  	s2 =	sld [smem:$0x3FAC]  }
0x29: {  	s4 =	sld [smem:$0x3FAE]  }
0x2a: {  	p0 =	seq.s32 s5, $0x0;
	s5 =	sld [smem:$0x3FAF]  }
0x2b: {  	s6 =	sld [smem:$0x3FB0]  }
0x2c: {  	s7 =	sld [smem:$0x3FB1]  }
0x2d: {  	s3 =	simm.s32 $0x108;
	s8 =	sld [smem:$0x3FB2]  }
0x2e: {  	s3 =	simm.s32 @!p0 $0x1082;
	s9 =	sld [smem:$0x3FB3]  }
0x2f: {  	lr =	sadd.s32 s0, s3;
	s0 =	sld [smem:$0x3FAA]  }
0x30: {  	s3 =	sld [smem:$0x3FAD]  }
0x31: {  	[smem:$0x3FB6] =	sst s10  }
0x32: {  	s10 =	sld [smem:$0x3FB4];
	_ =	sdelay $0x3  }
0x33: {  	p0 =	seq.s32 s10, $0x1;
	s10 =	sld [smem:$0x3FB6];
	_ =	sdelay $0x3  }
0x34: {  	[smem:$0x3FB6] =	sst s10  }
0x35: {  	s10 =	sld [smem:$0x3FB5];
	_ =	sdelay $0x3  }
0x36: {  	p1 =	seq.s32 s10, $0x1;
	s10 =	sld [smem:$0x3FB6];
	_ =	sdelay $0x3  }
0x37: {  	[smem:$0x3FB6] =	sst s10  }
0x38: {  	s10 =	sld [smem:$0x3FB7]  }
0x39: {  	_ = 	snop;
	(pc) =	sbr.ind lr, $3  }
0x3a: {  	_ = 	snop  }
0x3b: {  	_ = 	snop  }
0x3c: {  	p2 =	seq.s32 s10, $0x1;
	s10 =	sld [smem:$0x3FB6]  }
0x3d: {  	_ =	shalt  }
0x3e: {  	_ =	shalt  }
0x3f: {  	_ =	shalt  }
0x40: {  	_ =	shalt  }
0x41: {  	_ =	shalt  }
0x42: {  	_ =	shalt  }
0x43: {  	_ =	shalt  }
0x44: {  	_ =	shalt  }
0x45: {  	_ =	shalt  }
0x46: {  	_ =	shalt  }
0x47: {  	_ =	shalt  }
0x48: {  	_ =	shalt  }
0x49: {  	_ =	shalt  }
0x4a: {  	_ =	shalt  }
0x4b: {  	_ =	shalt  }
0x4c: {  	_ =	shalt  }
0x4d: {  	_ =	shalt  }
0x4e: {  	_ =	shalt  }
0x4f: {  	_ =	shalt  }
0x50: {  	_ =	shalt  }
0x51: {  	_ =	shalt  }
0x52: {  	_ =	shalt  }
0x53: {  	_ =	shalt  }
0x54: {  	_ =	shalt  }
0x55: {  	_ =	shalt  }
0x56: {  	_ =	shalt  }
0x57: {  	_ =	shalt  }
0x58: {  	_ =	shalt  }
0x59: {  	_ =	shalt  }
0x5a: {  	_ =	shalt  }
0x5b: {  	_ =	shalt  }
0x5c: {  	_ =	shalt  }
0x5d: {  	_ =	shalt  }
0x5e: {  	_ =	shalt  }
0x5f: {  	_ =	shalt  }
0x60: {  	_ =	shalt  }
0x61: {  	_ =	shalt  }
0x62: {  	_ =	shalt  }
0x63: {  	_ =	shalt  }
0x64: {  	_ =	shalt  }
0x65: {  	_ =	shalt  }
0x66: {  	_ =	shalt  }
0x67: {  	_ =	shalt  }
0x68: {  	_ =	shalt  }
0x69: {  	_ =	shalt  }
0x6a: {  	_ =	shalt  }
0x6b: {  	_ =	shalt  }
0x6c: {  	_ =	shalt  }
0x6d: {  	_ =	shalt  }
0x6e: {  	_ =	shalt  }
0x6f: {  	_ =	shalt  }
0x70: {  	_ =	shalt  }
0x71: {  	_ =	shalt  }
0x72: {  	_ =	shalt  }
0x73: {  	_ =	shalt  }
0x74: {  	_ =	shalt  }
0x75: {  	_ =	shalt  }
0x76: {  	_ =	shalt  }
0x77: {  	_ =	shalt  }
0x78: {  	_ =	shalt  }
0x79: {  	_ =	shalt  }
0x7a: {  	_ =	shalt  }
0x7b: {  	_ =	shalt  }
0x7c: {  	_ =	shalt  }
0x7d: {  	_ =	shalt  }
0x7e: {  	_ =	shalt  }
0x7f: {  	_ =	shalt  }
0x80: {  	_ =	shalt  }
0x81: {  	_ =	shalt  }
0x82: {  	_ =	shalt  }
0x83: {  	_ =	shalt  }
0x84: {  	_ =	shalt  }
0x85: {  	_ =	shalt  }
0x86: {  	_ =	shalt  }
0x87: {  	_ =	shalt  }
.Lfunc_end0:
.L_simem_size_0:
called_computation.2_lowered:
.L_overlay_start_0:
0x88: {  	s2 =	sld [smem:$0x3FD9]  }
0x89: {  	s3 =	sld [smem:$0x3FFE];
	_ =	sdelay $0x1  }
0x8a: {  	s1 =	srdreg.scid  }
0x8b: {  	s0 =	sand.u32 $0x1, s1  }
0x8c: {  	s17 =	sshll.u32 s0, $0xA;
	s2 =	sadd.s32 s3, s2  }
0x8d: {  	s2 =	sadd.s32 s2, s17  }
0x8e: {  	[smem:$0x3FC2] =	sst s2  }
0x8f: {  	_ = 	snop  }
0x90: {  	s2 =	sld [smem:$0x3FD0];
	(tm) =	ssettm $0x1  }
0x91: {  	s18 =	sld [smem:$0x3FFB];
	_ =	sdelay $0x3  }
0x92: {  	_ =	strace s18  }
0x93: {  	s3 =	sld [smem:$0x3FFC];
	_ =	sdelay $0x3  }
0x94: {  	_ =	strace s3  }
0x95: {  	s3 =	sld [smem:$0x3FFD];
	_ =	sdelay $0x3  }
0x96: {  	_ =	strace s3  }
0x97: {  	_ =	strace $0x8FFFFFFF  }
0x98: {  	s19 =	sld [smem:$0x3FDB];
	_ =	sdelay $0x1  }
0x99: {  	s4 =	simm.s32 $_scs_section_size  }
0x9a: {  	s5 =	simm.s32 $_size__tile_overlayer_lowered;
	s6 =	simm.s32 $_tile_overlayer_lowered  }
0x9b: {  	s22 =	simm.s32 $0x1BFF;
	s21 =	sshll.u32 s6, $0x1;
	s3 =	sadd.s32 s4, s19  }
0x9c: {  	s7 =	simm.s32 $0x0;
	s20 =	sshll.u32 s5, $0x1;
	s5 =	sadd.s32 s21, s3  }
0x9d: {  	[timem:s7], [sflag:s22] =	dma.local [hbm:s5], s20  }
0x9e: {  	_ =	swait.ge [sflag:s22], s20  }
0x9f: {  	s4 =	ssub.s32 $0x0, s20;
	[sflag:s22] =	ssyncset.done $0x0  }
0xa0: {  	[sflag:s22] =	ssyncadd.s32 s4;
	_ =	sdelay $0x1  }
0xa1: {  	s23 =	simm.s32 $0x1B8B  }
0xa2: {  	_ =	swait.ge [sflag:s23], $0x1  }
0xa3: {  	[sflag:s23] =	ssyncset.done $0x0  }
0xa4: {  	s25 =	simm.s32 $0x1B8E;
	s24 =	sld [smem:$0x3FFE];
	[sflag:s23] =	ssyncadd.s32 $0xFFFFFFFF  }
0xa5: {  	s26 =	simm.s32 $execute0_lowered;
	[smem:$0x3FD2] =	sst s25  }
0xa6: {  	s5 =	sshll.u32 s26, $0x1;
	_ =	strace $0x8000004C;
	[dreg:$0x1] =	wrdreg $0xFFFFFFFF  }
0xa7: {  	s28 =	simm.s32 $_size_execute0_lowered;
	s3 =	sadd.s32 s3, s5;
	[dreg:$0x0] =	wrdreg $0x0  }
0xa8: {  	s5 =	sshll.u32 s28, $0x1;
	[dreg:$0x2] =	wrdreg s3  }
0xa9: {  	[dreg:$0x3] =	wrdreg s5  }
0xaa: {  	[dreg:$0x4] =	wrdreg $0xC0  }
0xab: {  	_ =	task [dreg:s7], $0x5FFFF  }
0xac: {  	[dreg:$0x1] =	wrdreg $0xFFFFFFFF  }
0xad: {  	[dreg:$0x0] =	wrdreg $0x60  }
0xae: {  	[dreg:$0x2] =	wrdreg s2  }
0xaf: {  	[dreg:$0x3] =	wrdreg s24  }
0xb0: {  	[dreg:$0x4] =	wrdreg $0x98000  }
0xb1: {  	[dreg:$0x5] =	wrdreg $0x9  }
0xb2: {  	_ =	task.clear_ibuf [dreg:s7], $0x6FFFF;
	_ =	strace $0x9000004C  }
0xb3: {  	s29 =	simm.s32 $0x9;
	_ =	strace $0x8000004E  }
0xb4: {  	_ =	swait.ge [sflag:s29], $0x1  }
0xb5: {  	[sflag:s29] =	ssyncadd.s32 $0xFFFFFFFF  }
0xb6: {  	_ =	strace $0x9000004E  }
0xb7: {  	_ =	sfence  }
0xb8: {  	s30 =	sld [smem:$0x0];
	_ =	sdelay $0x2  }
0xb9: {  	s31 =	sshll.u32 s1, $0xD;
	s1 =	sshrl.u32 s1, $0x2  }
0xba: {  	s3 =	sand.u32 $0x4000, s31;
	s1 =	sadd.s32 s1, s30  }
0xbb: {  	s0 =	sor.u32 s3, s0;
	s1 =	sshll.u32 s1, $0x11  }
0xbc: {  	s0 =	sor.u32 s1, s0  }
0xbd: {  	s0 =	sadd.s32 $0x8F2B, s0  }
0xbe: {  	[sflag:s0] =	ssyncadd.remote.s32 $0x1  }
0xbf: {  	_ =	sfence.sel $0xFFFF  }
0xc0: {  	[dreg:$0x0] =	wrdreg $0xFFFFFFFF;
	(pc) =	sbr.abs _section_cstart, $3  }
0xc1: {  	[dreg:$0x1] =	wrdreg $0xFFFFFFFF  }
0xc2: {  	_ =	task.clear_ibuf [dreg:s7], $0x2FFFF;
	_ =	strace $0x9FFFFFFF  }
0xc3: {  	(tm) =	ssettm $0x7FFFFFFF  }
tec
execute0_lowered:
.L_overlay_start_1:
0x0: {  	(tag) =	ssettag $0x1  }
0x1: {  	s1 =	rddreg [dreg:$0x0]  }
0x2: {  	s6 =	rddreg [dreg:$0x1]  }
0x3: {  	s3 =	rddreg [dreg:$0x2];
	s2 =	srdreg.scid  }
0x4: {  	s0 =	rddreg [dreg:$0x3];
	s4 =	simm.s32 $0x0;
	s14 =	simm.s32 $0x2C00  }
0x5: {  	s15 =	simm.s32 $0x80;
	s16 =	simm.s32 $0x5800;
	s7 =	sand.u32 $0x1, s2  }
0x6: {  	s18 =	simm.s32 $0x0;
	s2 =	stileid.u32;
	s8 =	smul.u32 $0x13C000, s7  }
0x7: {  	[smem:$0x7FF] =	sst s4;
	s5 =	sshll.u32 s7, $0x4;
	s9 =	smul.u32 $0x13C00, s2  }
0x8: {  	_ =	strace $0x8000004D;
	s10 =	smul.u32 $0x50000, s2;
	s28 =	ssub.s32 $0x2, s7  }
0x9: {  	s30 =	smul.u32 $0x4F000, s2;
	s31 =	sshll.u32 s2, $0x6;
	s5 =	sor.u32 s2, s5  }
0xa: {  	s7 =	sshrl.u32 s28, $0x1;
	s5 =	smul.u32 $0x580, s5;
	s8 =	sadd.s32 s9, s8  }
0xb: {  	s29 =	sshrl.u32 s10, $0x2;
	s12 =	ssub.s32 s28, s7;
	s10 =	sshrl.u32 s30, $0x2  }
0xc: {  	s8 =	sshrl.u32 s8, $0x3;
	s13 =	sadd.s32 s29, s3;
	s17 =	sadd.s32 s10, s3  }
0xd: {  	s10 =	smax.u32 s12, $0x1;
	s12 =	simm.s32 $0x2;
	s26 =	sadd.s32 s5, s6  }
0xe: {  	s5 =	sadd.s32 $0xE400, s6;
	s11 =	sadd.s32 s8, s6;
	s6 =	sor.u32 $0x1C02, s31  }
0xf: {  	s17 =	sshrl.u32 s17, $0x3;
	s7 =	sadd.s32 $0x10C00, s26;
	s8 =	sadd.s32 $0x3400, s26  }
0x10: {  	s9 =	sadd.s32 $0x42E00, s11;
	s11 =	sshrl.u32 s13, $0x3;
	s13 =	simm.s32 $0x1  }
.LBB2_1:
0x11: {  	[spmem:s11], [sflag:s6] =	dma.local [hbm:s5], $0x2800  }
0x12: {  	_ =	swait.ge [sflag:s12], $0x2800  }
0x13: {  	[sflag:s12] =	ssyncset.done $0x0  }
0x14: {  	[sflag:s12] =	ssyncadd.s32 $0xFFFFD800  }
0x15: {  	[tilespmem:s4], [sflag:$0x1] =	stream.linear.gather [hbm4b:s7+s4], $0x2C00, $0x38;
	[tilespmem:$0x1D800] =	vst v63  }
0x16: {  	_ =	swait.ge [sflag:s13], $0x2C00  }
0x17: {  	[sflag:s13] =	ssyncset.done $0x0  }
0x18: {  	[sflag:s13] =	ssyncadd.s32 $0xFFFFD400  }
0x19: {  	[tilespmem:s14], [sflag:$0x1] =	stream.linear.gather [hbm4b:s8+s4], $0x2C00, $0x38;
	[tilespmem:$0x1D800] =	vst v63  }
0x1a: {  	_ =	swait.ge [sflag:s13], $0x2C00  }
0x1b: {  	[sflag:s13] =	ssyncset.done $0x0  }
0x1c: {  	[sflag:s13] =	ssyncadd.s32 $0xFFFFD400  }
0x1d: {  	s19 =	simm.s32 $0x0;
	[bflag:$0x0] =	sbarrier.arrive $0xFFFF  }
0x1e: {  	[tilespmem:s16], [sflag:$0x1] =	stream.indirect.gather [hbm4b:s1+s15], $0x80, s19, s15, $0xb8;
	[tilespmem:$0x1D800] =	vst v63  }
0x1f: {  	_ =	swait.ge [sflag:s13], $0x4000  }
0x20: {  	[sflag:s13] =	ssyncset.done $0x0  }
0x21: {  	s31 =	simm.s32 $0x2C00;
	[sflag:s13] =	ssyncadd.s32 $0xFFFFC000  }
0x22: {  	[spmem:s3] =	stream.indirect.scatter.add.f32 [tilespmem:s16], [sflag:$0x2], $0x80, s31, s15, $0xb8;
	[tilespmem:$0x1D800] =	vst v63  }
0x23: {  	_ =	swait.ge [sflag:s12], $0x4000  }
0x24: {  	s20 =	simm.s32 $0x400;
	s19 =	simm.s32 $0x200;
	[sflag:s12] =	ssyncset.done $0x0  }
.LBB2_2:
0x25: {  	s21 =	sshra.s32 s19, $0x2  }
0x26: {  	[sflag:s12] =	ssyncadd.s32 $0xFFFFC000;
	s19 =	smov.u32 s20;
	s22 =	sadd.s32 $0x200, s20  }
0x27: {  	[tilespmem:s16], [sflag:$0x1] =	stream.indirect.gather [hbm4b:s1+s15], $0x80, s21, s15, $0xb8;
	[tilespmem:$0x1D800] =	vst v63  }
0x28: {  	p0 =	sne.s32 s20, $0x9E00;
	_ =	swait.ge [sflag:s13], $0x4000  }
.Ltmp0:
0x29: {  	[sflag:s13] =	ssyncset.done $0x0;
	(pc) =	sbr.rel @p0 .LBB2_2-.Ltmp0, $4  }
0x2a: {  	s20 =	sadd.s32 $0x2C00, s21;
	[sflag:s13] =	ssyncadd.s32 $0xFFFFC000  }
0x2b: {  	[spmem:s3] =	stream.indirect.scatter.add.f32 [tilespmem:s16], [sflag:$0x2], $0x80, s20, s15, $0xb8;
	[tilespmem:$0x1D800] =	vst v63  }
0x2c: {  	_ =	swait.ge [sflag:s12], $0x4000  }
0x2d: {  	s20 =	smov.u32 s22;
	[sflag:s12] =	ssyncset.done $0x0  }
0x2e: {  	s19 =	sshra.s32 s19, $0x2;
	[sflag:s12] =	ssyncadd.s32 $0xFFFFC000  }
0x2f: {  	[tilespmem:s16], [sflag:$0x1] =	stream.indirect.gather [hbm4b:s1+s15], $0x80, s19, s15, $0xb8;
	[tilespmem:$0x1D800] =	vst v63  }
0x30: {  	_ =	swait.ge [sflag:s13], $0x4000  }
0x31: {  	[sflag:s13] =	ssyncset.done $0x0  }
0x32: {  	s19 =	sadd.s32 $0x2C00, s19;
	[sflag:s13] =	ssyncadd.s32 $0xFFFFC000  }
0x33: {  	[spmem:s3] =	stream.indirect.scatter.add.f32 [tilespmem:s16], [sflag:$0x2], $0x80, s19, s15, $0xb8;
	[tilespmem:$0x1D800] =	vst v63  }
0x34: {  	_ =	swait.ge [sflag:s12], $0x4000  }
0x35: {  	s18 =	sadd.s32 $0x1, s18;
	[sflag:s12] =	ssyncset.done $0x0  }
0x36: {  	p0 =	sne.s32 s18, s10;
	[sflag:s12] =	ssyncadd.s32 $0xFFFFC000  }
.Ltmp1:
0x37: {  	[bflag:$0x0] =	sbarrier.arrive $0xFFFF;
	(pc) =	sbr.rel @p0 .LBB2_1-.Ltmp1, $4  }
0x38: {  	[hbm:s9], [sflag:s6] =	dma.local [spmem:s17], $0x2780  }
0x39: {  	_ =	swait.ge [sflag:s12], $0x2780  }
0x3a: {  	[sflag:s12] =	ssyncset.done $0x0  }
0x3b: {  	[sflag:s12] =	ssyncadd.s32 $0xFFFFD880  }
0x3c: {  	_ =	sfence.sel $0x180000  }
0x3d: {  	[bflag:$0x0] =	sbarrier.arrive $0xFFFF  }
0x3e: {  	p0 =	sne.s32 s2, $0x0;
	_ =	strace $0x9000004D  }
0x3f: {  	s0 =	sadd.s32 @!p0 $0x100000, s0;
	[bflag:$0x2] =	sbarrier.arrive $0xFFFF  }
0x40: {  	[sflag:s0] =	ssyncadd.tile.s32 @!p0 $0x1;
	_ =	shalt  }
.Lfunc_end2:
_tile_overlayer_lowered:
.L_overlay_start_2:
0x41: {  	(tag) =	ssettag $0x2  }
0x42: {  	s0 =	rddreg [dreg:$0x0];
	s2 =	stileid.u32  }
0x43: {  	s1 =	rddreg [dreg:$0x1];
	p0 =	sne.s32 s2, $0x0  }
0x44: {  	s3 =	rddreg [dreg:$0x2];
	[bflag:$0x3] =	sbarrier.arrive $0xFFFF;
	s2 =	simm.s32 @!p0 $0x1C02  }
0x45: {  	[timem:s3], [sflag:s2] =	dma.local @!p0 [hbm:s0], s1  }
0x46: {  	s0 =	simm.s32 @!p0 $0x2  }
0x47: {  	_ =	swait.ge @!p0 [sflag:s0], s1  }
0x48: {  	s1 =	ssub.s32 @!p0 $0x0, s1;
	[sflag:s0] =	ssyncset.done @!p0 $0x0  }
0x49: {  	[sflag:s0] =	ssyncadd.s32 @!p0 s1  }
0x4a: {  	[bflag:$0x3] =	sbarrier.arrive $0xFFFF  }
0x4b: {  	_ =	shalt  }

// kernel: kernel.9.cloned.1.call-start
scs
__scs_entry_jumppad:
0x0: {  	(pc) =	sbr.rel $0x88, $3  }
0x1: {  	(tag) =	ssettag $0x0;
	lr =	simm.s32 $0x1  }
0x2: {  	[smem:$0x3F9B] =	sst lr;
	_ =	strace $0xD0000000  }
0x3: {  	_ = 	snop  }
0x4: {  	_ = 	snop  }
0x5: {  	_ = 	snop  }
0x6: {  	_ = 	snop  }
0x7: {  	_ = 	snop  }
__scs_overlays_trampoline_lowered:
0x8: {  	[smem:$0x3FAA] =	sst s0  }
0x9: {  	[smem:$0x3FAB] =	sst s1  }
0xa: {  	[smem:$0x3FAC] =	sst s2  }
0xb: {  	[smem:$0x3FAD] =	sst s3  }
0xc: {  	[smem:$0x3FAE] =	sst s4  }
0xd: {  	[smem:$0x3FAF] =	sst s5  }
0xe: {  	[smem:$0x3FB0] =	sst s6  }
0xf: {  	[smem:$0x3FB1] =	sst s7  }
0x10: {  	[smem:$0x3FB2] =	sst s8  }
0x11: {  	[smem:$0x3FB3] =	sst s9;
	s0 =	simm.s32 @!p0 $0x0  }
0x12: {  	s1 =	sld [smem:$0x3F99];
	s0 =	simm.s32 @p0 $0x1  }
0x13: {  	[smem:$0x3FB4] =	sst s0;
	s0 =	simm.s32 @!p1 $0x0  }
0x14: {  	s2 =	sld [smem:$0x3F98];
	s0 =	simm.s32 @p1 $0x1  }
0x15: {  	[smem:$0x3FB5] =	sst s0;
	s0 =	simm.s32 @!p2 $0x0  }
0x16: {  	s3 =	sld [smem:$0x3FDB];
	s0 =	simm.s32 @p2 $0x1  }
0x17: {  	s4 =	simm.s32 $0x1BF5;
	[smem:$0x3FB7] =	sst s0  }
0x18: {  	s0 =	sld [smem:$0x3F9A];
	_ =	swait.ge [sflag:s4], $0x0  }
0x19: {  	s7 =	sld [smem:$0x3F9B]  }
0x1a: {  	s8 =	sadd.s32 $0xFFFFE003, lr  }
0x1b: {  	s9 =	sadd.s32 $0xFFFFFEF7, lr;
	s5 =	simm.s32 $0xFFFFFFFF;
	p2 =	slt.u32 s8, $0xFFFFF086  }
0x1c: {  	p1 =	slt.u32 s9, $0xF7A;
	s5 =	simm.s32 @!p2 $0x0  }
0x1d: {  	s5 =	simm.s32 @p1 $0x1;
	p0 =	seq.s32 s7, s2  }
0x1e: {  	s7 =	smul.u32 @!p0 $0xF7A, s2;
	p2 =	seq.s32 @!p0 s5, $0x0  }
0x1f: {  	s9 =	smul.u32 $0xF7A, s1;
	s8 =	simm.s32 @!p0 $0x1BF5;
	p2 =	por !p2, p0  }
0x20: {  	[sflag:s8] =	ssyncset.s32 @!p0 $0xFFFFF086;
	s6 =	sadd.s32 @!p0 s3, s7;
	s7 =	simm.s32 @!p0 $0x108  }
0x21: {  	s3 =	sadd.s32 s3, s9;
	s6 =	sadd.s32 @!p0 $0x88, s6;
	s7 =	simm.s32 @p2 $0x1082  }
0x22: {  	[simem:s7], [sflag:s8] =	dma.local @!p0 [hbm:s6], $0xF7A  }
0x23: {  	s9 =	sor.u32 $0xD0000000, s2;
	s6 =	simm.s32 $0x108;
	_ =	swait.ge @!p0 [sflag:s8], $0x0  }
0x24: {  	s3 =	sadd.s32 $0x88, s3;
	s6 =	simm.s32 @!p1 $0x1082;
	[sflag:s4] =	ssyncset.s32 $0xFFFFF086  }
0x25: {  	[simem:s6], [sflag:s4] =	dma.local [hbm:s3], $0xF7A  }
0x26: {  	[smem:$0x3F9B] =	sst s1;
	(tag) =	ssettag s2;
	_ =	strace s9  }
0x27: {  	s1 =	sld [smem:$0x3FAB]  }
0x28: {  	s2 =	sld [smem:$0x3FAC]  }
0x29: {  	s4 =	sld [smem:$0x3FAE]  }
0x2a: {  	p0 =	seq.s32 s5, $0x0;
	s5 =	sld [smem:$0x3FAF]  }
0x2b: {  	s6 =	sld [smem:$0x3FB0]  }
0x2c: {  	s7 =	sld [smem:$0x3FB1]  }
0x2d: {  	s3 =	simm.s32 $0x108;
	s8 =	sld [smem:$0x3FB2]  }
0x2e: {  	s3 =	simm.s32 @!p0 $0x1082;
	s9 =	sld [smem:$0x3FB3]  }
0x2f: {  	lr =	sadd.s32 s0, s3;
	s0 =	sld [smem:$0x3FAA]  }
0x30: {  	s3 =	sld [smem:$0x3FAD]  }
0x31: {  	[smem:$0x3FB6] =	sst s10  }
0x32: {  	s10 =	sld [smem:$0x3FB4];
	_ =	sdelay $0x3  }
0x33: {  	p0 =	seq.s32 s10, $0x1;
	s10 =	sld [smem:$0x3FB6];
	_ =	sdelay $0x3  }
0x34: {  	[smem:$0x3FB6] =	sst s10  }
0x35: {  	s10 =	sld [smem:$0x3FB5];
	_ =	sdelay $0x3  }
0x36: {  	p1 =	seq.s32 s10, $0x1;
	s10 =	sld [smem:$0x3FB6];
	_ =	sdelay $0x3  }
0x37: {  	[smem:$0x3FB6] =	sst s10  }
0x38: {  	s10 =	sld [smem:$0x3FB7]  }
0x39: {  	_ = 	snop;
	(pc) =	sbr.ind lr, $3  }
0x3a: {  	_ = 	snop  }
0x3b: {  	_ = 	snop  }
0x3c: {  	p2 =	seq.s32 s10, $0x1;
	s10 =	sld [smem:$0x3FB6]  }
0x3d: {  	_ =	shalt  }
0x3e: {  	_ =	shalt  }
0x3f: {  	_ =	shalt  }
0x40: {  	_ =	shalt  }
0x41: {  	_ =	shalt  }
0x42: {  	_ =	shalt  }
0x43: {  	_ =	shalt  }
0x44: {  	_ =	shalt  }
0x45: {  	_ =	shalt  }
0x46: {  	_ =	shalt  }
0x47: {  	_ =	shalt  }
0x48: {  	_ =	shalt  }
0x49: {  	_ =	shalt  }
0x4a: {  	_ =	shalt  }
0x4b: {  	_ =	shalt  }
0x4c: {  	_ =	shalt  }
0x4d: {  	_ =	shalt  }
0x4e: {  	_ =	shalt  }
0x4f: {  	_ =	shalt  }
0x50: {  	_ =	shalt  }
0x51: {  	_ =	shalt  }
0x52: {  	_ =	shalt  }
0x53: {  	_ =	shalt  }
0x54: {  	_ =	shalt  }
0x55: {  	_ =	shalt  }
0x56: {  	_ =	shalt  }
0x57: {  	_ =	shalt  }
0x58: {  	_ =	shalt  }
0x59: {  	_ =	shalt  }
0x5a: {  	_ =	shalt  }
0x5b: {  	_ =	shalt  }
0x5c: {  	_ =	shalt  }
0x5d: {  	_ =	shalt  }
0x5e: {  	_ =	shalt  }
0x5f: {  	_ =	shalt  }
0x60: {  	_ =	shalt  }
0x61: {  	_ =	shalt  }
0x62: {  	_ =	shalt  }
0x63: {  	_ =	shalt  }
0x64: {  	_ =	shalt  }
0x65: {  	_ =	shalt  }
0x66: {  	_ =	shalt  }
0x67: {  	_ =	shalt  }
0x68: {  	_ =	shalt  }
0x69: {  	_ =	shalt  }
0x6a: {  	_ =	shalt  }
0x6b: {  	_ =	shalt  }
0x6c: {  	_ =	shalt  }
0x6d: {  	_ =	shalt  }
0x6e: {  	_ =	shalt  }
0x6f: {  	_ =	shalt  }
0x70: {  	_ =	shalt  }
0x71: {  	_ =	shalt  }
0x72: {  	_ =	shalt  }
0x73: {  	_ =	shalt  }
0x74: {  	_ =	shalt  }
0x75: {  	_ =	shalt  }
0x76: {  	_ =	shalt  }
0x77: {  	_ =	shalt  }
0x78: {  	_ =	shalt  }
0x79: {  	_ =	shalt  }
0x7a: {  	_ =	shalt  }
0x7b: {  	_ =	shalt  }
0x7c: {  	_ =	shalt  }
0x7d: {  	_ =	shalt  }
0x7e: {  	_ =	shalt  }
0x7f: {  	_ =	shalt  }
0x80: {  	_ =	shalt  }
0x81: {  	_ =	shalt  }
0x82: {  	_ =	shalt  }
0x83: {  	_ =	shalt  }
0x84: {  	_ =	shalt  }
0x85: {  	_ =	shalt  }
0x86: {  	_ =	shalt  }
0x87: {  	_ =	shalt  }
.Lfunc_end0:
.L_simem_size_0:
called_computation_lowered:
.L_overlay_start_0:
0x88: {  	s2 =	sld [smem:$0x3FD9]  }
0x89: {  	s3 =	sld [smem:$0x3FFE];
	_ =	sdelay $0x1  }
0x8a: {  	s1 =	srdreg.scid  }
0x8b: {  	s0 =	sand.u32 $0x1, s1  }
0x8c: {  	s17 =	sshll.u32 s0, $0xA;
	s2 =	sadd.s32 s3, s2  }
0x8d: {  	s2 =	sadd.s32 s2, s17  }
0x8e: {  	[smem:$0x3FC2] =	sst s2  }
0x8f: {  	_ = 	snop  }
0x90: {  	s2 =	sld [smem:$0x3FD0];
	(tm) =	ssettm $0x1  }
0x91: {  	s18 =	sld [smem:$0x3FFB];
	_ =	sdelay $0x3  }
0x92: {  	_ =	strace s18  }
0x93: {  	s3 =	sld [smem:$0x3FFC];
	_ =	sdelay $0x3  }
0x94: {  	_ =	strace s3  }
0x95: {  	s3 =	sld [smem:$0x3FFD];
	_ =	sdelay $0x3  }
0x96: {  	_ =	strace s3  }
0x97: {  	_ =	strace $0x8FFFFFFF  }
0x98: {  	s19 =	sld [smem:$0x3FDB];
	_ =	sdelay $0x1  }
0x99: {  	s4 =	simm.s32 $_scs_section_size  }
0x9a: {  	s5 =	simm.s32 $_size__tile_overlayer_lowered;
	s6 =	simm.s32 $_tile_overlayer_lowered  }
0x9b: {  	s22 =	simm.s32 $0x1BFF;
	s21 =	sshll.u32 s6, $0x1;
	s3 =	sadd.s32 s4, s19  }
0x9c: {  	s7 =	simm.s32 $0x0;
	s20 =	sshll.u32 s5, $0x1;
	s5 =	sadd.s32 s21, s3  }
0x9d: {  	[timem:s7], [sflag:s22] =	dma.local [hbm:s5], s20  }
0x9e: {  	_ =	swait.ge [sflag:s22], s20  }
0x9f: {  	s4 =	ssub.s32 $0x0, s20;
	[sflag:s22] =	ssyncset.done $0x0  }
0xa0: {  	[sflag:s22] =	ssyncadd.s32 s4;
	_ =	sdelay $0x1  }
0xa1: {  	s23 =	simm.s32 $0x1B8B  }
0xa2: {  	_ =	swait.ge [sflag:s23], $0x1  }
0xa3: {  	[sflag:s23] =	ssyncset.done $0x0  }
0xa4: {  	s25 =	simm.s32 $0x1B8E;
	s24 =	sld [smem:$0x3FFE];
	[sflag:s23] =	ssyncadd.s32 $0xFFFFFFFF  }
0xa5: {  	s26 =	simm.s32 $execute0_lowered;
	[smem:$0x3FD2] =	sst s25  }
0xa6: {  	s5 =	sshll.u32 s26, $0x1;
	_ =	strace $0x80000046;
	[dreg:$0x1] =	wrdreg $0xFFFFFFFF  }
0xa7: {  	s28 =	simm.s32 $_size_execute0_lowered;
	s3 =	sadd.s32 s3, s5;
	[dreg:$0x0] =	wrdreg $0x0  }
0xa8: {  	s5 =	sshll.u32 s28, $0x1;
	[dreg:$0x2] =	wrdreg s3  }
0xa9: {  	[dreg:$0x3] =	wrdreg s5  }
0xaa: {  	[dreg:$0x4] =	wrdreg $0xC0  }
0xab: {  	_ =	task [dreg:s7], $0x5FFFF  }
0xac: {  	[dreg:$0x1] =	wrdreg $0xFFFFFFFF  }
0xad: {  	[dreg:$0x0] =	wrdreg $0x60  }
0xae: {  	[dreg:$0x2] =	wrdreg s24  }
0xaf: {  	[dreg:$0x3] =	wrdreg s2  }
0xb0: {  	[dreg:$0x4] =	wrdreg $0x170000  }
0xb1: {  	[dreg:$0x5] =	wrdreg $0x9  }
0xb2: {  	_ =	task.clear_ibuf [dreg:s7], $0x6FFFF;
	_ =	strace $0x90000046  }
0xb3: {  	s29 =	simm.s32 $0x9;
	_ =	strace $0x80000048  }
0xb4: {  	_ =	swait.ge [sflag:s29], $0x1  }
0xb5: {  	[sflag:s29] =	ssyncadd.s32 $0xFFFFFFFF  }
0xb6: {  	_ =	strace $0x90000048  }
0xb7: {  	_ =	sfence  }
0xb8: {  	s30 =	sld [smem:$0x0];
	_ =	sdelay $0x2  }
0xb9: {  	s31 =	sshll.u32 s1, $0xD;
	s1 =	sshrl.u32 s1, $0x2  }
0xba: {  	s3 =	sand.u32 $0x4000, s31;
	s1 =	sadd.s32 s1, s30  }
0xbb: {  	s0 =	sor.u32 s3, s0;
	s1 =	sshll.u32 s1, $0x11  }
0xbc: {  	s0 =	sor.u32 s1, s0  }
0xbd: {  	s0 =	sadd.s32 $0x8F2B, s0  }
0xbe: {  	[sflag:s0] =	ssyncadd.remote.s32 $0x1  }
0xbf: {  	_ =	sfence.sel $0xFFFF  }
0xc0: {  	[dreg:$0x0] =	wrdreg $0xFFFFFFFF;
	(pc) =	sbr.abs _section_cstart, $3  }
0xc1: {  	[dreg:$0x1] =	wrdreg $0xFFFFFFFF  }
0xc2: {  	_ =	task.clear_ibuf [dreg:s7], $0x2FFFF;
	_ =	strace $0x9FFFFFFF  }
0xc3: {  	(tm) =	ssettm $0x7FFFFFFF  }
tec
execute0_lowered:
.L_overlay_start_1:
0x0: {  	(tag) =	ssettag $0x1  }
0x1: {  	s5 =	rddreg [dreg:$0x0]  }
0x2: {  	s8 =	rddreg [dreg:$0x1]  }
0x3: {  	s0 =	srdreg.scid;
	s2 =	rddreg [dreg:$0x2]  }
0x4: {  	s3 =	simm.s32 $0x0;
	s13 =	simm.s32 $0x16C00;
	s14 =	simm.s32 $0x1  }
0x5: {  	s15 =	simm.s32 $0x80;
	s16 =	simm.s32 $0x16C80;
	s17 =	simm.s32 $0x6C00  }
0x6: {  	s18 =	simm.s32 $0x16D00;
	s19 =	simm.s32 $0xAC00;
	s20 =	simm.s32 $0x16D80  }
0x7: {  	s21 =	simm.s32 $0xEC00;
	s4 =	sand.u32 $0x1, s0;
	s0 =	stileid.u32  }
0x8: {  	s22 =	simm.s32 $0x16E00;
	s23 =	simm.s32 $0x12C00;
	s7 =	smul.u32 $0x5000, s0  }
0x9: {  	s24 =	simm.s32 $0x0;
	[smem:$0x7FF] =	sst s3;
	s10 =	smul.u32 $0x14000, s4  }
0xa: {  	s1 =	sshll.u32 s4, $0x4;
	s9 =	ssub.s32 $0x2, s4;
	s12 =	smul.u32 $0x1400, s0  }
0xb: {  	s4 =	sadd.s32 $0xE400, s5;
	s30 =	sshll.u32 s0, $0x6;
	s6 =	sor.u32 s0, s1  }
0xc: {  	s1 =	rddreg [dreg:$0x3];
	_ =	strace $0x80000047;
	s28 =	sshrl.u32 s9, $0x1  }
0xd: {  	s6 =	smul.u32 $0x580, s6;
	s9 =	ssub.s32 s9, s28;
	s29 =	sshrl.u32 s7, $0x2  }
0xe: {  	s10 =	sadd.s32 s12, s10;
	s12 =	simm.s32 $0x2C00;
	s31 =	sadd.s32 s29, s2  }
0xf: {  	v0 =	vlaneseq.u32;
	s10 =	sshrl.u32 s10, $0x3;
	s9 =	smax.u32 s9, $0x1;
	s11 =	sadd.s32 s6, s5  }
0x10: {  	v0 =	vand.u32 $0x7, v0;
	s5 =	sadd.s32 $0x3200, s5;
	s6 =	sor.u32 $0x1C02, s30;
	s8 =	sadd.s32 s8, s10  }
0x11: {  	v1 =	vimm.f32 $1.000000000e+00;
	vm0 =	vcmask $0x3F20;
	v0 =	vmul.u32 $0x2800, v0;
	s10 =	sshrl.u32 s31, $0x3;
	s7 =	sadd.s32 $0x3400, s11;
	s11 =	simm.s32 $0x2  }
.LBB2_1:
0x12: {  	[spmem:s10], [sflag:s6] =	dma.local [hbm:s4], $0x280  }
0x13: {  	_ =	swait.ge [sflag:s11], $0x280  }
0x14: {  	[sflag:s11] =	ssyncset.done $0x0  }
0x15: {  	[sflag:s11] =	ssyncadd.s32 $0xFFFFFD80  }
0x16: {  	[tilespmem:s12], [sflag:$0x2] =	stream.linear.gather [hbm4b:s4+s3], $0x14000, $0x38;
	[tilespmem:$0x18400] =	vst v63  }
0x17: {  	_ =	swait.ge [sflag:s11], $0x14000  }
0x18: {  	[sflag:s11] =	ssyncset.done $0x0  }
0x19: {  	[sflag:s11] =	ssyncadd.s32 $0xFFFEC000  }
0x1a: {  	[tilespmem:s13], [sflag:$0x2] =	stream.linear.gather [hbm4b:s5+s3], $0x280, $0x38;
	[tilespmem:$0x18400] =	vst v63  }
0x1b: {  	_ =	swait.ge [sflag:s11], $0x280  }
0x1c: {  	[sflag:s11] =	ssyncset.done $0x0  }
0x1d: {  	[sflag:s11] =	ssyncadd.s32 $0xFFFFFD80  }
0x1e: {  	[tilespmem:s3], [sflag:$0x1] =	stream.linear.gather [hbm4b:s7+s3], $0x2C00, $0x38;
	[tilespmem:$0x18400] =	vst v63  }
0x1f: {  	_ =	swait.ge [sflag:s14], $0x2C00  }
0x20: {  	[sflag:s14] =	ssyncset.done $0x0  }
0x21: {  	[sflag:s14] =	ssyncadd.s32 $0xFFFFD400  }
0x22: {  	s25 =	simm.s32 $0x0;
	[bflag:$0x0] =	sbarrier.arrive $0xFFFF  }
.LBB2_2:
0x23: {  	s26 =	sshra.s32 s25, $0x2  }
0x24: {  	v2 =	vld [tilespmem:s26+$0x0];
	_ =	sdelay $0x4  }
0x25: {  	v2 =	vadd.s32 v0, v2;
	_ =	sdelay $0x4  }
0x26: {  	[tilespmem:v2+s12+$0x0] =	vst.idx.add.f32.msk $0xff, v1  }
0x27: {  	[tilespmem:v2+s12+$0x0] =	vst.idx.add.f32.msk vm0, v1  }
0x28: {  	v2 =	vld [tilespmem:s26+$0x10];
	_ =	sdelay $0x4  }
0x29: {  	v2 =	vadd.s32 v0, v2;
	_ =	sdelay $0x4  }
0x2a: {  	[tilespmem:v2+s12+$0x0] =	vst.idx.add.f32.msk $0xff, v1  }
0x2b: {  	[tilespmem:v2+s12+$0x0] =	vst.idx.add.f32.msk vm0, v1  }
0x2c: {  	v2 =	vld [tilespmem:s26+$0x20];
	_ =	sdelay $0x4  }
0x2d: {  	v2 =	vadd.s32 v0, v2;
	_ =	sdelay $0x4  }
0x2e: {  	[tilespmem:v2+s12+$0x0] =	vst.idx.add.f32.msk $0xff, v1  }
0x2f: {  	[tilespmem:v2+s12+$0x0] =	vst.idx.add.f32.msk vm0, v1  }
0x30: {  	v2 =	vld [tilespmem:s26+$0x30];
	_ =	sdelay $0x4  }
0x31: {  	v2 =	vadd.s32 v0, v2;
	_ =	sdelay $0x4  }
0x32: {  	[tilespmem:v2+s12+$0x0] =	vst.idx.add.f32.msk $0xff, v1  }
0x33: {  	[tilespmem:v2+s12+$0x0] =	vst.idx.add.f32.msk vm0, v1  }
0x34: {  	v2 =	vld [tilespmem:s26+$0x40];
	_ =	sdelay $0x4  }
0x35: {  	v2 =	vadd.s32 v0, v2;
	_ =	sdelay $0x4  }
0x36: {  	[tilespmem:v2+s12+$0x0] =	vst.idx.add.f32.msk $0xff, v1  }
0x37: {  	[tilespmem:v2+s12+$0x0] =	vst.idx.add.f32.msk vm0, v1  }
0x38: {  	v2 =	vld [tilespmem:s26+$0x50];
	_ =	sdelay $0x4  }
0x39: {  	v2 =	vadd.s32 v0, v2;
	_ =	sdelay $0x4  }
0x3a: {  	[tilespmem:v2+s12+$0x0] =	vst.idx.add.f32.msk $0xff, v1  }
0x3b: {  	[tilespmem:v2+s12+$0x0] =	vst.idx.add.f32.msk vm0, v1  }
0x3c: {  	v2 =	vld [tilespmem:s26+$0x60];
	_ =	sdelay $0x4  }
0x3d: {  	v2 =	vadd.s32 v0, v2;
	_ =	sdelay $0x4  }
0x3e: {  	[tilespmem:v2+s12+$0x0] =	vst.idx.add.f32.msk $0xff, v1  }
0x3f: {  	[tilespmem:v2+s12+$0x0] =	vst.idx.add.f32.msk vm0, v1  }
0x40: {  	v2 =	vld [tilespmem:s26+$0x70];
	_ =	sdelay $0x4  }
0x41: {  	v2 =	vadd.s32 v0, v2  }
0x42: {  	p0 =	sne.s32 s25, $0x9E00  }
.Ltmp0:
0x43: {  	_ = 	snop;
	(pc) =	sbr.rel @p0 .LBB2_2-.Ltmp0, $3  }
0x44: {  	_ =	sdelay $0x1  }
0x45: {  	[tilespmem:v2+s12+$0x0] =	vst.idx.add.f32.msk $0xff, v1  }
0x46: {  	s25 =	sadd.s32 $0x200, s25;
	[tilespmem:v2+s12+$0x0] =	vst.idx.add.f32.msk vm0, v1  }
0x47: {  	[spmem:s2] =	stream.indirect.scatter.add.f32 [tilespmem:s12], [sflag:$0x2], $0x80, s13, s15, $0xb8;
	[tilespmem:$0x18400] =	vst v63  }
0x48: {  	_ =	swait.ge [sflag:s11], $0x4000  }
0x49: {  	[sflag:s11] =	ssyncset.done $0x0  }
0x4a: {  	[sflag:s11] =	ssyncadd.s32 $0xFFFFC000  }
0x4b: {  	[spmem:s2] =	stream.indirect.scatter.add.f32 [tilespmem:s17], [sflag:$0x2], $0x80, s16, s15, $0xb8;
	[tilespmem:$0x18400] =	vst v63  }
0x4c: {  	_ =	swait.ge [sflag:s11], $0x4000  }
0x4d: {  	[sflag:s11] =	ssyncset.done $0x0  }
0x4e: {  	[sflag:s11] =	ssyncadd.s32 $0xFFFFC000  }
0x4f: {  	[spmem:s2] =	stream.indirect.scatter.add.f32 [tilespmem:s19], [sflag:$0x2], $0x80, s18, s15, $0xb8;
	[tilespmem:$0x18400] =	vst v63  }
0x50: {  	_ =	swait.ge [sflag:s11], $0x4000  }
0x51: {  	[sflag:s11] =	ssyncset.done $0x0  }
0x52: {  	[sflag:s11] =	ssyncadd.s32 $0xFFFFC000  }
0x53: {  	[spmem:s2] =	stream.indirect.scatter.add.f32 [tilespmem:s21], [sflag:$0x2], $0x80, s20, s15, $0xb8;
	[tilespmem:$0x18400] =	vst v63  }
0x54: {  	_ =	swait.ge [sflag:s11], $0x4000  }
0x55: {  	[sflag:s11] =	ssyncset.done $0x0  }
0x56: {  	[sflag:s11] =	ssyncadd.s32 $0xFFFFC000  }
0x57: {  	[spmem:s2] =	stream.indirect.scatter.add.f32 [tilespmem:s23], [sflag:$0x2], $0x80, s22, s15, $0xb8;
	[tilespmem:$0x18400] =	vst v63  }
0x58: {  	_ =	swait.ge [sflag:s11], $0x4000  }
0x59: {  	s24 =	sadd.s32 $0x1, s24;
	[sflag:s11] =	ssyncset.done $0x0  }
0x5a: {  	p0 =	sne.s32 s24, s9;
	[sflag:s11] =	ssyncadd.s32 $0xFFFFC000  }
.Ltmp1:
0x5b: {  	[bflag:$0x0] =	sbarrier.arrive $0xFFFF;
	(pc) =	sbr.rel @p0 .LBB2_1-.Ltmp1, $4  }
0x5c: {  	[hbm:s8], [sflag:s6] =	dma.local [spmem:s10], $0x280  }
0x5d: {  	_ =	swait.ge [sflag:s11], $0x280  }
0x5e: {  	[sflag:s11] =	ssyncset.done $0x0  }
0x5f: {  	[sflag:s11] =	ssyncadd.s32 $0xFFFFFD80  }
0x60: {  	_ =	sfence.sel $0x180000  }
0x61: {  	[bflag:$0x0] =	sbarrier.arrive $0xFFFF  }
0x62: {  	p0 =	sne.s32 s0, $0x0;
	_ =	strace $0x90000047  }
0x63: {  	s0 =	sadd.s32 @!p0 $0x100000, s1;
	[bflag:$0x2] =	sbarrier.arrive $0xFFFF  }
0x64: {  	[sflag:s0] =	ssyncadd.tile.s32 @!p0 $0x1;
	_ =	shalt  }
.Lfunc_end2:
_tile_overlayer_lowered:
.L_overlay_start_2:
0x65: {  	(tag) =	ssettag $0x2  }
0x66: {  	s0 =	rddreg [dreg:$0x0];
	s2 =	stileid.u32  }
0x67: {  	s1 =	rddreg [dreg:$0x1];
	p0 =	sne.s32 s2, $0x0  }
0x68: {  	s3 =	rddreg [dreg:$0x2];
	[bflag:$0x3] =	sbarrier.arrive $0xFFFF;
	s2 =	simm.s32 @!p0 $0x1C02  }
0x69: {  	[timem:s3], [sflag:s2] =	dma.local @!p0 [hbm:s0], s1  }
0x6a: {  	s0 =	simm.s32 @!p0 $0x2  }
0x6b: {  	_ =	swait.ge @!p0 [sflag:s0], s1  }
0x6c: {  	s1 =	ssub.s32 @!p0 $0x0, s1;
	[sflag:s0] =	ssyncset.done @!p0 $0x0  }
0x6d: {  	[sflag:s0] =	ssyncadd.s32 @!p0 s1  }
0x6e: {  	[bflag:$0x3] =	sbarrier.arrive $0xFFFF  }
0x6f: {  	_ =	shalt  }

</sc_bundles>
